<compile_context>
chip_gen: v7x
topology: tpu7x:2x2x1
jax: 0.10.2.dev20260603
libtpu: 0.0.44.dev20260713+nightly
codegen_flags: <defaults>
</compile_context>

<pallas_src>
import functools

import jax
import jax.numpy as jnp
from jax import lax
from jax.experimental import pallas as pl
from jax.experimental.pallas import tpu as pltpu
from jax.experimental.pallas import tpu_sc as plsc

_NC = 2
_NS = 16
_NW = _NC * _NS
_L = 16
_CHUNK = 128


@functools.lru_cache(maxsize=None)
def _lr_call(B, F, V):
    n_per_w = (B * F) // _NW
    b_per_w = B // _NW
    cpw = b_per_w // _CHUNK

    mesh = plsc.VectorSubcoreMesh(core_axis_name="c", subcore_axis_name="s")

    @functools.partial(
        pl.kernel,
        out_type=jax.ShapeDtypeStruct((B,), jnp.float32),
        mesh=mesh,
        scratch_types=[
            pltpu.VMEM((F, b_per_w), jnp.int32),
            pltpu.VMEM((1, n_per_w), jnp.float32),
            pltpu.VMEM((b_per_w,), jnp.float32),
            pltpu.SemaphoreType.DMA,
            pltpu.SemaphoreType.DMA,
            pltpu.SemaphoreType.DMA,
            pltpu.SemaphoreType.DMA,
        ],
    )
    def lr_kernel(xt_hbm, table_hbm, out_hbm, idx_v, vals_v, out_v,
                  sem_a, sem_b, sem_s, sem_o):
        wid = lax.axis_index("s") * _NC + lax.axis_index("c")
        base = wid * b_per_w
        sems = (sem_a, sem_b)
        chunk_bytes_cols = F * _CHUNK

        def stage(c):
            pltpu.async_copy(
                xt_hbm.at[:, pl.ds(base + c * _CHUNK, _CHUNK)],
                idx_v.at[:, pl.ds(c * _CHUNK, _CHUNK)],
                sem_s,
            )

        def stage_wait():
            pltpu.make_async_copy(
                xt_hbm.at[:, pl.ds(base, _CHUNK)],
                idx_v.at[:, pl.ds(0, _CHUNK)],
                sem_s,
            ).wait()

        def fire_chunk(c, sem):
            def fk(k, _):
                pltpu.async_copy(
                    table_hbm.at[idx_v.at[pl.ds(k, 1),
                                          pl.ds(c * _CHUNK, _CHUNK)]],
                    vals_v.at[:, pl.ds(k * b_per_w + c * _CHUNK, _CHUNK)],
                    sem,
                )
                return 0
            lax.fori_loop(0, F, fk, 0, unroll=2)

        def drain(sem):
            pltpu.make_async_copy(
                table_hbm.at[:, pl.ds(0, chunk_bytes_cols)],
                vals_v.at[:, pl.ds(0, chunk_bytes_cols)],
                sem,
            ).wait()

        def compute(c):
            def seg(gl, _):
                g = c * (_CHUNK // _L) + gl
                acc = jnp.zeros((_L,), jnp.float32)
                for k in range(F):
                    acc = acc + vals_v[0, pl.ds(k * b_per_w + g * _L, _L)]
                out_v[pl.ds(g * _L, _L)] = acc
                return 0
            lax.fori_loop(0, _CHUNK // _L, seg, 0, unroll=2)

        stage(0)
        stage(1)
        stage_wait()
        fire_chunk(0, sems[0])
        stage_wait()
        fire_chunk(1, sems[1])

        def step(c, _):
            @pl.when(c + 2 < cpw)
            def _():
                stage(c + 2)

            def on_parity(par):
                def _():
                    sem = sems[par]
                    drain(sem)

                    @pl.when(c + 2 < cpw)
                    def _():
                        stage_wait()
                        fire_chunk(c + 2, sem)
                return _

            pl.when(lax.rem(c, 2) == 0)(on_parity(0))
            pl.when(lax.rem(c, 2) == 1)(on_parity(1))
            compute(c)
            pltpu.async_copy(
                out_v.at[pl.ds(c * _CHUNK, _CHUNK)],
                out_hbm.at[pl.ds(base + c * _CHUNK, _CHUNK)],
                sem_o,
            )
            return 0

        lax.fori_loop(0, cpw, step, 0)

        pltpu.make_async_copy(out_v, out_hbm.at[pl.ds(base, b_per_w)],
                              sem_o).wait()

    return lr_kernel


@functools.lru_cache(maxsize=None)
def _fm_call(B, F, D):
    BB = 2048

    def _fm_body(x_ref, o_ref):
        x = x_ref[...]
        x3 = x.reshape(F, D, BB)
        s = jnp.sum(x3, axis=0)
        ss = jnp.sum(s * s, axis=0)
        sq = jnp.sum(x * x, axis=0)
        o_ref[...] = 0.5 * (ss - sq)

    return pl.pallas_call(
        _fm_body,
        grid=(B // BB,),
        in_specs=[pl.BlockSpec((F * D, BB), lambda i: (0, i))],
        out_specs=pl.BlockSpec((BB,), lambda i: (i,)),
        out_shape=jax.ShapeDtypeStruct((B,), jnp.float32),
    )


def kernel(X, feature_emb, lr_table, bias):
    B, F = X.shape
    D = feature_emb.shape[2]
    V = lr_table.shape[0]

    lr = _lr_call(B, F, V)(X.T, lr_table.T)

    xT = feature_emb.reshape(B, F * D).T
    fm = _fm_call(B, F, D)(xT)

    return (fm + lr + bias[0])[:, None]

# --- scband reference (transcript-rebuilt; emitter-appended) ---
"""Pipeline reference for scband-fm-layer-1434519077102 (READ-ONLY COPY).

The authoritative reference and input builder live on the scoring server;
editing this copy changes nothing except your own understanding.
"""

import jax, jax.numpy as jnp
import numpy as np

B = 16384
F = 26
D = 16
VOCAB = 1000000

def setup_inputs(seed: int = 0) -> dict:
    key = jax.random.key(seed)
    k1, k2, k3 = jax.random.split(key, 3)
    X = jax.random.randint(k1, (B, F), 0, VOCAB, dtype=jnp.int64) if jax.config.jax_enable_x64 else jax.random.randint(k1, (B, F), 0, VOCAB, dtype=jnp.int32)
    feature_emb = jax.random.normal(k2, (B, F, D), dtype=jnp.float32)
    lr_table = jax.random.normal(k3, (VOCAB, 1), dtype=jnp.float32) * 0.01
    bias = jnp.zeros((1,), dtype=jnp.float32)
    return {"X": X, "feature_emb": feature_emb, "lr_table": lr_table, "bias": bias}

def reference(X, feature_emb, lr_table, bias):
    # LR layer: embedding lookup with dim=1, sum over fields, add bias
    embed_weights = jnp.take(lr_table, X, axis=0)  # [B, F, 1]
    lr_out = embed_weights.sum(axis=1) + bias       # [B, 1]
    # InnerProductLayer with product_sum_pooling:
    # 0.5 * ((sum_f e)^2 - sum_f e^2) summed over embed dim
    sum_of_emb = feature_emb.sum(axis=1)            # [B, D]
    square_of_sum = sum_of_emb * sum_of_emb         # [B, D]
    sum_of_square = (feature_emb * feature_emb).sum(axis=1)  # [B, D]
    dot_sum = 0.5 * (square_of_sum - sum_of_square).sum(axis=-1, keepdims=True)  # [B, 1]
    output = dot_sum + lr_out
    return output

if __name__ == "__main__":
    import jax
    _d = setup_inputs()
    print(jax.jit(kernel)(*tuple(_d.values())))

</pallas_src>

<mosaic_0001>
#map = affine_map<(d0, d1) -> (0, 0)>
#map1 = affine_map<(d0, d1) -> (0)>
module attributes {stable_mosaic.version = 14 : i64} {
  func.func @lr_kernel(%arg0: i32, %arg1: i32, %arg2: memref<26x16384xi32, #tpu.memory_space<hbm>>, %arg3: memref<1x1000000xf32, #tpu.memory_space<hbm>>, %arg4: memref<16384xf32, #tpu.memory_space<hbm>>, %arg5: memref<26x512xi32, #tpu.memory_space<vmem>>, %arg6: memref<1x13312xf32, #tpu.memory_space<vmem>>, %arg7: memref<512xf32, #tpu.memory_space<vmem>>, %arg8: memref<!tpu.dma_semaphore, #tpu.memory_space<semaphore_mem>>, %arg9: memref<!tpu.dma_semaphore, #tpu.memory_space<semaphore_mem>>, %arg10: memref<!tpu.dma_semaphore, #tpu.memory_space<semaphore_mem>>, %arg11: memref<!tpu.dma_semaphore, #tpu.memory_space<semaphore_mem>>) attributes {dimension_semantics = [#tpu.dimension_semantics<core_parallel>, #tpu.dimension_semantics<subcore_parallel>], iteration_bounds = array<i64: 2, 16>, scalar_prefetch = 0 : i64, scratch_operands = 7 : i64, tpu.core_type = #tpu.core_type<sc_vector_subcore>, window_params = [{transform_indices = #map}, {transform_indices = #map}, {transform_indices = #map1}]} {
    %mul3A = arith.constant 2 : i32
    %mul3A_0 = arith.muli %arg1, %mul3A : i32
    %add3A = arith.addi %mul3A_0, %arg0 : i32
    %mul3A_1 = arith.constant 512 : i32
    %mul3A_2 = arith.muli %add3A, %mul3A_1 : i32
    %add3A_3 = arith.constant 0 : i32
    %add3A_4 = arith.addi %mul3A_2, %add3A_3 : i32
    %dma_start3A = arith.constant 0 : i32
    %dma_start3A_5 = arith.constant 0 : i32
    %dma_start3A_6 = tpu.memref_slice %arg5[%dma_start3A, %dma_start3A_5] : memref<26x512xi32, #tpu.memory_space<vmem>> -> memref<26x128xi32, #tpu.memory_space<vmem>>
    %dma_start3A_7 = arith.constant 0 : i32
    %dma_start3A_8 = tpu.memref_slice %arg2[%dma_start3A_7, %add3A_4] : memref<26x16384xi32, #tpu.memory_space<hbm>> -> memref<26x128xi32, #tpu.memory_space<hbm>>
    %dma_start3A_9 = arith.constant 0 : i32
    %dma_start3A_10 = arith.constant 0 : i32
    %dma_start3A_11 = tpu.memref_slice %arg5[%dma_start3A_9, %dma_start3A_10] : memref<26x512xi32, #tpu.memory_space<vmem>> -> memref<26x128xi32, #tpu.memory_space<vmem>>
    %dma_start3A_12 = arith.constant 0 : i32
    %dma_start3A_13 = tpu.memref_slice %arg2[%dma_start3A_12, %add3A_4] : memref<26x16384xi32, #tpu.memory_space<hbm>> -> memref<26x128xi32, #tpu.memory_space<hbm>>
    tpu.enqueue_dma source(%dma_start3A_13 : memref<26x128xi32, #tpu.memory_space<hbm>>) target(%dma_start3A_11 : memref<26x128xi32, #tpu.memory_space<vmem>>) target_semaphore(%arg10 : memref<!tpu.dma_semaphore, #tpu.memory_space<semaphore_mem>>)
    %add3A_14 = arith.constant 128 : i32
    %add3A_15 = arith.addi %mul3A_2, %add3A_14 : i32
    %dma_start3A_16 = arith.constant 0 : i32
    %dma_start3A_17 = arith.constant 128 : i32
    %dma_start3A_18 = tpu.memref_slice %arg5[%dma_start3A_16, %dma_start3A_17] : memref<26x512xi32, #tpu.memory_space<vmem>> -> memref<26x128xi32, #tpu.memory_space<vmem>>
    %dma_start3A_19 = arith.constant 0 : i32
    %dma_start3A_20 = tpu.memref_slice %arg2[%dma_start3A_19, %add3A_15] : memref<26x16384xi32, #tpu.memory_space<hbm>> -> memref<26x128xi32, #tpu.memory_space<hbm>>
    %dma_start3A_21 = arith.constant 0 : i32
    %dma_start3A_22 = arith.constant 128 : i32
    %dma_start3A_23 = tpu.memref_slice %arg5[%dma_start3A_21, %dma_start3A_22] : memref<26x512xi32, #tpu.memory_space<vmem>> -> memref<26x128xi32, #tpu.memory_space<vmem>>
    %dma_start3A_24 = arith.constant 0 : i32
    %dma_start3A_25 = tpu.memref_slice %arg2[%dma_start3A_24, %add3A_15] : memref<26x16384xi32, #tpu.memory_space<hbm>> -> memref<26x128xi32, #tpu.memory_space<hbm>>
    tpu.enqueue_dma source(%dma_start3A_25 : memref<26x128xi32, #tpu.memory_space<hbm>>) target(%dma_start3A_23 : memref<26x128xi32, #tpu.memory_space<vmem>>) target_semaphore(%arg10 : memref<!tpu.dma_semaphore, #tpu.memory_space<semaphore_mem>>)
    %dma_wait3A = arith.constant 0 : i32
    %dma_wait3A_26 = arith.constant 0 : i32
    %dma_wait3A_27 = tpu.memref_slice %arg5[%dma_wait3A, %dma_wait3A_26] : memref<26x512xi32, #tpu.memory_space<vmem>> -> memref<26x128xi32, #tpu.memory_space<vmem>>
    %dma_wait3A_28 = arith.constant 0 : i32
    %dma_wait3A_29 = tpu.memref_slice %arg2[%dma_wait3A_28, %mul3A_2] : memref<26x16384xi32, #tpu.memory_space<hbm>> -> memref<26x128xi32, #tpu.memory_space<hbm>>
    %dma_wait3A_30 = arith.constant 0 : i32
    %dma_wait3A_31 = arith.constant 0 : i32
    %dma_wait3A_32 = tpu.memref_slice %arg5[%dma_wait3A_30, %dma_wait3A_31] : memref<26x512xi32, #tpu.memory_space<vmem>> -> memref<26x128xi32, #tpu.memory_space<vmem>>
    %dma_wait3A_33 = arith.constant 0 : i32
    %dma_wait3A_34 = tpu.memref_slice %arg2[%dma_wait3A_33, %mul3A_2] : memref<26x16384xi32, #tpu.memory_space<hbm>> -> memref<26x128xi32, #tpu.memory_space<hbm>>
    tpu.wait_dma2 semaphore(%arg10 : memref<!tpu.dma_semaphore, #tpu.memory_space<semaphore_mem>>) src(%dma_wait3A_34 : memref<26x128xi32, #tpu.memory_space<hbm>>) dst(%dma_wait3A_32 : memref<26x128xi32, #tpu.memory_space<vmem>>)
    %scan3A = arith.constant 0 : i32
    %scan3A_35 = arith.constant 0 : i32
    %scan3A_36 = arith.constant 26 : i32
    %scan3A_37 = arith.addi %scan3A_35, %scan3A_36 : i32
    %scan3A_38 = arith.constant 2 : i32
    %scan3A_39 = scf.for %scan3A_67 = %scan3A_35 to %scan3A_37 step %scan3A_38 iter_args(%scan3A_68 = %scan3A) -> (i32)  : i32 {
      %mul3A_69 = arith.constant 512 : i32
      %mul3A_70 = arith.muli %scan3A_67, %mul3A_69 : i32
      %add3A_71 = arith.constant 0 : i32
      %add3A_72 = arith.addi %mul3A_70, %add3A_71 : i32
      %dma_start3A_73 = arith.constant 0 : i32
      %dma_start3A_74 = tpu.memref_slice %arg6[%dma_start3A_73, %add3A_72] : memref<1x13312xf32, #tpu.memory_space<vmem>> -> memref<1x128xf32, #tpu.memory_space<vmem>>
      %dma_start3A_75 = arith.constant 0 : i32
      %dma_start3A_76 = tpu.memref_slice %arg5[%scan3A_67, %dma_start3A_75] : memref<26x512xi32, #tpu.memory_space<vmem>> -> memref<1x128xi32, #tpu.memory_space<vmem>>
      %dma_start3A_77 = arith.constant 0 : i32
      %dma_start3A_78 = arith.constant 0 : i32
      %dma_start3A_79 = tpu.memref_slice %arg3[%dma_start3A_77, %dma_start3A_78] : memref<1x1000000xf32, #tpu.memory_space<hbm>> -> memref<1x1000000xf32, #tpu.memory_space<hbm>>
      tpu.enqueue_indirect_dma source(%dma_start3A_79 : memref<1x1000000xf32, #tpu.memory_space<hbm>>) target(%dma_start3A_74 : memref<1x128xf32, #tpu.memory_space<vmem>>) offsets(%dma_start3A_76 : memref<1x128xi32, #tpu.memory_space<vmem>>) semaphore(%arg8 : memref<!tpu.dma_semaphore, #tpu.memory_space<semaphore_mem>>)
      %scan3A_80 = arith.constant 0 : i32
      %scan3A_81 = arith.constant 1 : i32
      %scan3A_82 = arith.addi %scan3A_67, %scan3A_81 : i32
      %mul3A_83 = arith.constant 512 : i32
      %mul3A_84 = arith.muli %scan3A_82, %mul3A_83 : i32
      %add3A_85 = arith.constant 0 : i32
      %add3A_86 = arith.addi %mul3A_84, %add3A_85 : i32
      %dma_start3A_87 = arith.constant 0 : i32
      %dma_start3A_88 = tpu.memref_slice %arg6[%dma_start3A_87, %add3A_86] : memref<1x13312xf32, #tpu.memory_space<vmem>> -> memref<1x128xf32, #tpu.memory_space<vmem>>
      %dma_start3A_89 = arith.constant 0 : i32
      %dma_start3A_90 = tpu.memref_slice %arg5[%scan3A_82, %dma_start3A_89] : memref<26x512xi32, #tpu.memory_space<vmem>> -> memref<1x128xi32, #tpu.memory_space<vmem>>
      %dma_start3A_91 = arith.constant 0 : i32
      %dma_start3A_92 = arith.constant 0 : i32
      %dma_start3A_93 = tpu.memref_slice %arg3[%dma_start3A_91, %dma_start3A_92] : memref<1x1000000xf32, #tpu.memory_space<hbm>> -> memref<1x1000000xf32, #tpu.memory_space<hbm>>
      tpu.enqueue_indirect_dma source(%dma_start3A_93 : memref<1x1000000xf32, #tpu.memory_space<hbm>>) target(%dma_start3A_88 : memref<1x128xf32, #tpu.memory_space<vmem>>) offsets(%dma_start3A_90 : memref<1x128xi32, #tpu.memory_space<vmem>>) semaphore(%arg8 : memref<!tpu.dma_semaphore, #tpu.memory_space<semaphore_mem>>)
      %scan3A_94 = arith.constant 0 : i32
      scf.yield %scan3A_94 : i32
    }
    %scan3A_40 = arith.constant 26 : i32
    %dma_wait3A_41 = arith.constant 0 : i32
    %dma_wait3A_42 = arith.constant 0 : i32
    %dma_wait3A_43 = tpu.memref_slice %arg5[%dma_wait3A_41, %dma_wait3A_42] : memref<26x512xi32, #tpu.memory_space<vmem>> -> memref<26x128xi32, #tpu.memory_space<vmem>>
    %dma_wait3A_44 = arith.constant 0 : i32
    %dma_wait3A_45 = tpu.memref_slice %arg2[%dma_wait3A_44, %mul3A_2] : memref<26x16384xi32, #tpu.memory_space<hbm>> -> memref<26x128xi32, #tpu.memory_space<hbm>>
    %dma_wait3A_46 = arith.constant 0 : i32
    %dma_wait3A_47 = arith.constant 0 : i32
    %dma_wait3A_48 = tpu.memref_slice %arg5[%dma_wait3A_46, %dma_wait3A_47] : memref<26x512xi32, #tpu.memory_space<vmem>> -> memref<26x128xi32, #tpu.memory_space<vmem>>
    %dma_wait3A_49 = arith.constant 0 : i32
    %dma_wait3A_50 = tpu.memref_slice %arg2[%dma_wait3A_49, %mul3A_2] : memref<26x16384xi32, #tpu.memory_space<hbm>> -> memref<26x128xi32, #tpu.memory_space<hbm>>
    tpu.wait_dma2 semaphore(%arg10 : memref<!tpu.dma_semaphore, #tpu.memory_space<semaphore_mem>>) src(%dma_wait3A_50 : memref<26x128xi32, #tpu.memory_space<hbm>>) dst(%dma_wait3A_48 : memref<26x128xi32, #tpu.memory_space<vmem>>)
    %scan3A_51 = arith.constant 0 : i32
    %scan3A_52 = arith.constant 0 : i32
    %scan3A_53 = arith.constant 26 : i32
    %scan3A_54 = arith.addi %scan3A_52, %scan3A_53 : i32
    %scan3A_55 = arith.constant 2 : i32
    %scan3A_56 = scf.for %scan3A_67 = %scan3A_52 to %scan3A_54 step %scan3A_55 iter_args(%scan3A_68 = %scan3A_51) -> (i32)  : i32 {
      %mul3A_69 = arith.constant 512 : i32
      %mul3A_70 = arith.muli %scan3A_67, %mul3A_69 : i32
      %add3A_71 = arith.constant 128 : i32
      %add3A_72 = arith.addi %mul3A_70, %add3A_71 : i32
      %dma_start3A_73 = arith.constant 0 : i32
      %dma_start3A_74 = tpu.memref_slice %arg6[%dma_start3A_73, %add3A_72] : memref<1x13312xf32, #tpu.memory_space<vmem>> -> memref<1x128xf32, #tpu.memory_space<vmem>>
      %dma_start3A_75 = arith.constant 128 : i32
      %dma_start3A_76 = tpu.memref_slice %arg5[%scan3A_67, %dma_start3A_75] : memref<26x512xi32, #tpu.memory_space<vmem>> -> memref<1x128xi32, #tpu.memory_space<vmem>>
      %dma_start3A_77 = arith.constant 0 : i32
      %dma_start3A_78 = arith.constant 0 : i32
      %dma_start3A_79 = tpu.memref_slice %arg3[%dma_start3A_77, %dma_start3A_78] : memref<1x1000000xf32, #tpu.memory_space<hbm>> -> memref<1x1000000xf32, #tpu.memory_space<hbm>>
      tpu.enqueue_indirect_dma source(%dma_start3A_79 : memref<1x1000000xf32, #tpu.memory_space<hbm>>) target(%dma_start3A_74 : memref<1x128xf32, #tpu.memory_space<vmem>>) offsets(%dma_start3A_76 : memref<1x128xi32, #tpu.memory_space<vmem>>) semaphore(%arg9 : memref<!tpu.dma_semaphore, #tpu.memory_space<semaphore_mem>>)
      %scan3A_80 = arith.constant 0 : i32
      %scan3A_81 = arith.constant 1 : i32
      %scan3A_82 = arith.addi %scan3A_67, %scan3A_81 : i32
      %mul3A_83 = arith.constant 512 : i32
      %mul3A_84 = arith.muli %scan3A_82, %mul3A_83 : i32
      %add3A_85 = arith.constant 128 : i32
      %add3A_86 = arith.addi %mul3A_84, %add3A_85 : i32
      %dma_start3A_87 = arith.constant 0 : i32
      %dma_start3A_88 = tpu.memref_slice %arg6[%dma_start3A_87, %add3A_86] : memref<1x13312xf32, #tpu.memory_space<vmem>> -> memref<1x128xf32, #tpu.memory_space<vmem>>
      %dma_start3A_89 = arith.constant 128 : i32
      %dma_start3A_90 = tpu.memref_slice %arg5[%scan3A_82, %dma_start3A_89] : memref<26x512xi32, #tpu.memory_space<vmem>> -> memref<1x128xi32, #tpu.memory_space<vmem>>
      %dma_start3A_91 = arith.constant 0 : i32
      %dma_start3A_92 = arith.constant 0 : i32
      %dma_start3A_93 = tpu.memref_slice %arg3[%dma_start3A_91, %dma_start3A_92] : memref<1x1000000xf32, #tpu.memory_space<hbm>> -> memref<1x1000000xf32, #tpu.memory_space<hbm>>
      tpu.enqueue_indirect_dma source(%dma_start3A_93 : memref<1x1000000xf32, #tpu.memory_space<hbm>>) target(%dma_start3A_88 : memref<1x128xf32, #tpu.memory_space<vmem>>) offsets(%dma_start3A_90 : memref<1x128xi32, #tpu.memory_space<vmem>>) semaphore(%arg9 : memref<!tpu.dma_semaphore, #tpu.memory_space<semaphore_mem>>)
      %scan3A_94 = arith.constant 0 : i32
      scf.yield %scan3A_94 : i32
    }
    %scan3A_57 = arith.constant 26 : i32
    %scan3A_58 = arith.constant 0 : i32
    %scan3A_59 = arith.constant 0 : i32
    %scan3A_60 = arith.constant 4 : i32
    %scan3A_61 = arith.addi %scan3A_59, %scan3A_60 : i32
    %scan3A_62 = arith.constant 1 : i32
    %scan3A_63 = scf.for %scan3A_67 = %scan3A_59 to %scan3A_61 step %scan3A_62 iter_args(%scan3A_68 = %scan3A_58) -> (i32)  : i32 {
      %add3A_69 = arith.constant 2 : i32
      %add3A_70 = arith.addi %scan3A_67, %add3A_69 : i32
      %lt3A = arith.constant 4 : i32
      %lt3A_71 = arith.cmpi slt, %add3A_70, %lt3A : i32
      %convert_element_type3A = arith.extui %lt3A_71 : i1 to i32
      %cond3A = arith.constant 0 : i32
      %cond3A_72 = arith.cmpi ne, %convert_element_type3A, %cond3A : i32
      scf.if %cond3A_72 {
        %add3A_102 = arith.constant 2 : i32
        %add3A_103 = arith.addi %scan3A_67, %add3A_102 : i32
        %mul3A_104 = arith.constant 128 : i32
        %mul3A_105 = arith.muli %add3A_103, %mul3A_104 : i32
        %add3A_106 = arith.addi %mul3A_2, %mul3A_105 : i32
        %mul3A_107 = arith.constant 128 : i32
        %mul3A_108 = arith.muli %add3A_103, %mul3A_107 : i32
        %dma_start3A_109 = arith.constant 0 : i32
        %dma_start3A_110 = tpu.memref_slice %arg5[%dma_start3A_109, %mul3A_108] : memref<26x512xi32, #tpu.memory_space<vmem>> -> memref<26x128xi32, #tpu.memory_space<vmem>>
        %dma_start3A_111 = arith.constant 0 : i32
        %dma_start3A_112 = tpu.memref_slice %arg2[%dma_start3A_111, %add3A_106] : memref<26x16384xi32, #tpu.memory_space<hbm>> -> memref<26x128xi32, #tpu.memory_space<hbm>>
        %dma_start3A_113 = arith.constant 0 : i32
        %dma_start3A_114 = tpu.memref_slice %arg5[%dma_start3A_113, %mul3A_108] : memref<26x512xi32, #tpu.memory_space<vmem>> -> memref<26x128xi32, #tpu.memory_space<vmem>>
        %dma_start3A_115 = arith.constant 0 : i32
        %dma_start3A_116 = tpu.memref_slice %arg2[%dma_start3A_115, %add3A_106] : memref<26x16384xi32, #tpu.memory_space<hbm>> -> memref<26x128xi32, #tpu.memory_space<hbm>>
        tpu.enqueue_dma source(%dma_start3A_116 : memref<26x128xi32, #tpu.memory_space<hbm>>) target(%dma_start3A_114 : memref<26x128xi32, #tpu.memory_space<vmem>>) target_semaphore(%arg10 : memref<!tpu.dma_semaphore, #tpu.memory_space<semaphore_mem>>)
      } else {
      }
      %rem3A = arith.constant 2 : i32
      %rem3A_73 = arith.remsi %scan3A_67, %rem3A : i32
      %eq3A = arith.constant 0 : i32
      %eq3A_74 = arith.cmpi eq, %rem3A_73, %eq3A : i32
      %convert_element_type3A_75 = arith.extui %eq3A_74 : i1 to i32
      %cond3A_76 = arith.constant 0 : i32
      %cond3A_77 = arith.cmpi ne, %convert_element_type3A_75, %cond3A_76 : i32
      scf.if %cond3A_77 {
        %dma_wait3A_102 = arith.constant 0 : i32
        %dma_wait3A_103 = arith.constant 0 : i32
        %dma_wait3A_104 = tpu.memref_slice %arg6[%dma_wait3A_102, %dma_wait3A_103] : memref<1x13312xf32, #tpu.memory_space<vmem>> -> memref<1x3328xf32, #tpu.memory_space<vmem>>
        %dma_wait3A_105 = arith.constant 0 : i32
        %dma_wait3A_106 = arith.constant 0 : i32
        %dma_wait3A_107 = tpu.memref_slice %arg3[%dma_wait3A_105, %dma_wait3A_106] : memref<1x1000000xf32, #tpu.memory_space<hbm>> -> memref<1x3328xf32, #tpu.memory_space<hbm>>
        %dma_wait3A_108 = arith.constant 0 : i32
        %dma_wait3A_109 = arith.constant 0 : i32
        %dma_wait3A_110 = tpu.memref_slice %arg6[%dma_wait3A_108, %dma_wait3A_109] : memref<1x13312xf32, #tpu.memory_space<vmem>> -> memref<1x3328xf32, #tpu.memory_space<vmem>>
        %dma_wait3A_111 = arith.constant 0 : i32
        %dma_wait3A_112 = arith.constant 0 : i32
        %dma_wait3A_113 = tpu.memref_slice %arg3[%dma_wait3A_111, %dma_wait3A_112] : memref<1x1000000xf32, #tpu.memory_space<hbm>> -> memref<1x3328xf32, #tpu.memory_space<hbm>>
        tpu.wait_dma2 semaphore(%arg8 : memref<!tpu.dma_semaphore, #tpu.memory_space<semaphore_mem>>) src(%dma_wait3A_113 : memref<1x3328xf32, #tpu.memory_space<hbm>>) dst(%dma_wait3A_110 : memref<1x3328xf32, #tpu.memory_space<vmem>>)
        %add3A_114 = arith.constant 2 : i32
        %add3A_115 = arith.addi %scan3A_67, %add3A_114 : i32
        %lt3A_116 = arith.constant 4 : i32
        %lt3A_117 = arith.cmpi slt, %add3A_115, %lt3A_116 : i32
        %convert_element_type3A_118 = arith.extui %lt3A_117 : i1 to i32
        %cond3A_119 = arith.constant 0 : i32
        %cond3A_120 = arith.cmpi ne, %convert_element_type3A_118, %cond3A_119 : i32
        scf.if %cond3A_120 {
          %dma_wait3A_121 = arith.constant 0 : i32
          %dma_wait3A_122 = arith.constant 0 : i32
          %dma_wait3A_123 = tpu.memref_slice %arg5[%dma_wait3A_121, %dma_wait3A_122] : memref<26x512xi32, #tpu.memory_space<vmem>> -> memref<26x128xi32, #tpu.memory_space<vmem>>
          %dma_wait3A_124 = arith.constant 0 : i32
          %dma_wait3A_125 = tpu.memref_slice %arg2[%dma_wait3A_124, %mul3A_2] : memref<26x16384xi32, #tpu.memory_space<hbm>> -> memref<26x128xi32, #tpu.memory_space<hbm>>
          %dma_wait3A_126 = arith.constant 0 : i32
          %dma_wait3A_127 = arith.constant 0 : i32
          %dma_wait3A_128 = tpu.memref_slice %arg5[%dma_wait3A_126, %dma_wait3A_127] : memref<26x512xi32, #tpu.memory_space<vmem>> -> memref<26x128xi32, #tpu.memory_space<vmem>>
          %dma_wait3A_129 = arith.constant 0 : i32
          %dma_wait3A_130 = tpu.memref_slice %arg2[%dma_wait3A_129, %mul3A_2] : memref<26x16384xi32, #tpu.memory_space<hbm>> -> memref<26x128xi32, #tpu.memory_space<hbm>>
          tpu.wait_dma2 semaphore(%arg10 : memref<!tpu.dma_semaphore, #tpu.memory_space<semaphore_mem>>) src(%dma_wait3A_130 : memref<26x128xi32, #tpu.memory_space<hbm>>) dst(%dma_wait3A_128 : memref<26x128xi32, #tpu.memory_space<vmem>>)
          %add3A_131 = arith.constant 2 : i32
          %add3A_132 = arith.addi %scan3A_67, %add3A_131 : i32
          %scan3A_133 = arith.constant 0 : i32
          %scan3A_134 = arith.constant 0 : i32
          %scan3A_135 = arith.constant 26 : i32
          %scan3A_136 = arith.addi %scan3A_134, %scan3A_135 : i32
          %scan3A_137 = arith.constant 2 : i32
          %scan3A_138 = scf.for %scan3A_140 = %scan3A_134 to %scan3A_136 step %scan3A_137 iter_args(%scan3A_141 = %scan3A_133) -> (i32)  : i32 {
            %mul3A_142 = arith.constant 128 : i32
            %mul3A_143 = arith.muli %add3A_132, %mul3A_142 : i32
            %mul3A_144 = arith.constant 512 : i32
            %mul3A_145 = arith.muli %scan3A_140, %mul3A_144 : i32
            %mul3A_146 = arith.constant 128 : i32
            %mul3A_147 = arith.muli %add3A_132, %mul3A_146 : i32
            %add3A_148 = arith.addi %mul3A_145, %mul3A_147 : i32
            %dma_start3A_149 = arith.constant 0 : i32
            %dma_start3A_150 = tpu.memref_slice %arg6[%dma_start3A_149, %add3A_148] : memref<1x13312xf32, #tpu.memory_space<vmem>> -> memref<1x128xf32, #tpu.memory_space<vmem>>
            %dma_start3A_151 = tpu.memref_slice %arg5[%scan3A_140, %mul3A_143] : memref<26x512xi32, #tpu.memory_space<vmem>> -> memref<1x128xi32, #tpu.memory_space<vmem>>
            %dma_start3A_152 = arith.constant 0 : i32
            %dma_start3A_153 = arith.constant 0 : i32
            %dma_start3A_154 = tpu.memref_slice %arg3[%dma_start3A_152, %dma_start3A_153] : memref<1x1000000xf32, #tpu.memory_space<hbm>> -> memref<1x1000000xf32, #tpu.memory_space<hbm>>
            tpu.enqueue_indirect_dma source(%dma_start3A_154 : memref<1x1000000xf32, #tpu.memory_space<hbm>>) target(%dma_start3A_150 : memref<1x128xf32, #tpu.memory_space<vmem>>) offsets(%dma_start3A_151 : memref<1x128xi32, #tpu.memory_space<vmem>>) semaphore(%arg8 : memref<!tpu.dma_semaphore, #tpu.memory_space<semaphore_mem>>)
            %scan3A_155 = arith.constant 0 : i32
            %scan3A_156 = arith.constant 1 : i32
            %scan3A_157 = arith.addi %scan3A_140, %scan3A_156 : i32
            %mul3A_158 = arith.constant 128 : i32
            %mul3A_159 = arith.muli %add3A_132, %mul3A_158 : i32
            %mul3A_160 = arith.constant 512 : i32
            %mul3A_161 = arith.muli %scan3A_157, %mul3A_160 : i32
            %mul3A_162 = arith.constant 128 : i32
            %mul3A_163 = arith.muli %add3A_132, %mul3A_162 : i32
            %add3A_164 = arith.addi %mul3A_161, %mul3A_163 : i32
            %dma_start3A_165 = arith.constant 0 : i32
            %dma_start3A_166 = tpu.memref_slice %arg6[%dma_start3A_165, %add3A_164] : memref<1x13312xf32, #tpu.memory_space<vmem>> -> memref<1x128xf32, #tpu.memory_space<vmem>>
            %dma_start3A_167 = tpu.memref_slice %arg5[%scan3A_157, %mul3A_159] : memref<26x512xi32, #tpu.memory_space<vmem>> -> memref<1x128xi32, #tpu.memory_space<vmem>>
            %dma_start3A_168 = arith.constant 0 : i32
            %dma_start3A_169 = arith.constant 0 : i32
            %dma_start3A_170 = tpu.memref_slice %arg3[%dma_start3A_168, %dma_start3A_169] : memref<1x1000000xf32, #tpu.memory_space<hbm>> -> memref<1x1000000xf32, #tpu.memory_space<hbm>>
            tpu.enqueue_indirect_dma source(%dma_start3A_170 : memref<1x1000000xf32, #tpu.memory_space<hbm>>) target(%dma_start3A_166 : memref<1x128xf32, #tpu.memory_space<vmem>>) offsets(%dma_start3A_167 : memref<1x128xi32, #tpu.memory_space<vmem>>) semaphore(%arg8 : memref<!tpu.dma_semaphore, #tpu.memory_space<semaphore_mem>>)
            %scan3A_171 = arith.constant 0 : i32
            scf.yield %scan3A_171 : i32
          }
          %scan3A_139 = arith.constant 26 : i32
        } else {
        }
      } else {
      }
      %rem3A_78 = arith.constant 2 : i32
      %rem3A_79 = arith.remsi %scan3A_67, %rem3A_78 : i32
      %eq3A_80 = arith.constant 1 : i32
      %eq3A_81 = arith.cmpi eq, %rem3A_79, %eq3A_80 : i32
      %convert_element_type3A_82 = arith.extui %eq3A_81 : i1 to i32
      %cond3A_83 = arith.constant 0 : i32
      %cond3A_84 = arith.cmpi ne, %convert_element_type3A_82, %cond3A_83 : i32
      scf.if %cond3A_84 {
        %dma_wait3A_102 = arith.constant 0 : i32
        %dma_wait3A_103 = arith.constant 0 : i32
        %dma_wait3A_104 = tpu.memref_slice %arg6[%dma_wait3A_102, %dma_wait3A_103] : memref<1x13312xf32, #tpu.memory_space<vmem>> -> memref<1x3328xf32, #tpu.memory_space<vmem>>
        %dma_wait3A_105 = arith.constant 0 : i32
        %dma_wait3A_106 = arith.constant 0 : i32
        %dma_wait3A_107 = tpu.memref_slice %arg3[%dma_wait3A_105, %dma_wait3A_106] : memref<1x1000000xf32, #tpu.memory_space<hbm>> -> memref<1x3328xf32, #tpu.memory_space<hbm>>
        %dma_wait3A_108 = arith.constant 0 : i32
        %dma_wait3A_109 = arith.constant 0 : i32
        %dma_wait3A_110 = tpu.memref_slice %arg6[%dma_wait3A_108, %dma_wait3A_109] : memref<1x13312xf32, #tpu.memory_space<vmem>> -> memref<1x3328xf32, #tpu.memory_space<vmem>>
        %dma_wait3A_111 = arith.constant 0 : i32
        %dma_wait3A_112 = arith.constant 0 : i32
        %dma_wait3A_113 = tpu.memref_slice %arg3[%dma_wait3A_111, %dma_wait3A_112] : memref<1x1000000xf32, #tpu.memory_space<hbm>> -> memref<1x3328xf32, #tpu.memory_space<hbm>>
        tpu.wait_dma2 semaphore(%arg9 : memref<!tpu.dma_semaphore, #tpu.memory_space<semaphore_mem>>) src(%dma_wait3A_113 : memref<1x3328xf32, #tpu.memory_space<hbm>>) dst(%dma_wait3A_110 : memref<1x3328xf32, #tpu.memory_space<vmem>>)
        %add3A_114 = arith.constant 2 : i32
        %add3A_115 = arith.addi %scan3A_67, %add3A_114 : i32
        %lt3A_116 = arith.constant 4 : i32
        %lt3A_117 = arith.cmpi slt, %add3A_115, %lt3A_116 : i32
        %convert_element_type3A_118 = arith.extui %lt3A_117 : i1 to i32
        %cond3A_119 = arith.constant 0 : i32
        %cond3A_120 = arith.cmpi ne, %convert_element_type3A_118, %cond3A_119 : i32
        scf.if %cond3A_120 {
          %dma_wait3A_121 = arith.constant 0 : i32
          %dma_wait3A_122 = arith.constant 0 : i32
          %dma_wait3A_123 = tpu.memref_slice %arg5[%dma_wait3A_121, %dma_wait3A_122] : memref<26x512xi32, #tpu.memory_space<vmem>> -> memref<26x128xi32, #tpu.memory_space<vmem>>
          %dma_wait3A_124 = arith.constant 0 : i32
          %dma_wait3A_125 = tpu.memref_slice %arg2[%dma_wait3A_124, %mul3A_2] : memref<26x16384xi32, #tpu.memory_space<hbm>> -> memref<26x128xi32, #tpu.memory_space<hbm>>
          %dma_wait3A_126 = arith.constant 0 : i32
          %dma_wait3A_127 = arith.constant 0 : i32
          %dma_wait3A_128 = tpu.memref_slice %arg5[%dma_wait3A_126, %dma_wait3A_127] : memref<26x512xi32, #tpu.memory_space<vmem>> -> memref<26x128xi32, #tpu.memory_space<vmem>>
          %dma_wait3A_129 = arith.constant 0 : i32
          %dma_wait3A_130 = tpu.memref_slice %arg2[%dma_wait3A_129, %mul3A_2] : memref<26x16384xi32, #tpu.memory_space<hbm>> -> memref<26x128xi32, #tpu.memory_space<hbm>>
          tpu.wait_dma2 semaphore(%arg10 : memref<!tpu.dma_semaphore, #tpu.memory_space<semaphore_mem>>) src(%dma_wait3A_130 : memref<26x128xi32, #tpu.memory_space<hbm>>) dst(%dma_wait3A_128 : memref<26x128xi32, #tpu.memory_space<vmem>>)
          %add3A_131 = arith.constant 2 : i32
          %add3A_132 = arith.addi %scan3A_67, %add3A_131 : i32
          %scan3A_133 = arith.constant 0 : i32
          %scan3A_134 = arith.constant 0 : i32
          %scan3A_135 = arith.constant 26 : i32
          %scan3A_136 = arith.addi %scan3A_134, %scan3A_135 : i32
          %scan3A_137 = arith.constant 2 : i32
          %scan3A_138 = scf.for %scan3A_140 = %scan3A_134 to %scan3A_136 step %scan3A_137 iter_args(%scan3A_141 = %scan3A_133) -> (i32)  : i32 {
            %mul3A_142 = arith.constant 128 : i32
            %mul3A_143 = arith.muli %add3A_132, %mul3A_142 : i32
            %mul3A_144 = arith.constant 512 : i32
            %mul3A_145 = arith.muli %scan3A_140, %mul3A_144 : i32
            %mul3A_146 = arith.constant 128 : i32
            %mul3A_147 = arith.muli %add3A_132, %mul3A_146 : i32
            %add3A_148 = arith.addi %mul3A_145, %mul3A_147 : i32
            %dma_start3A_149 = arith.constant 0 : i32
            %dma_start3A_150 = tpu.memref_slice %arg6[%dma_start3A_149, %add3A_148] : memref<1x13312xf32, #tpu.memory_space<vmem>> -> memref<1x128xf32, #tpu.memory_space<vmem>>
            %dma_start3A_151 = tpu.memref_slice %arg5[%scan3A_140, %mul3A_143] : memref<26x512xi32, #tpu.memory_space<vmem>> -> memref<1x128xi32, #tpu.memory_space<vmem>>
            %dma_start3A_152 = arith.constant 0 : i32
            %dma_start3A_153 = arith.constant 0 : i32
            %dma_start3A_154 = tpu.memref_slice %arg3[%dma_start3A_152, %dma_start3A_153] : memref<1x1000000xf32, #tpu.memory_space<hbm>> -> memref<1x1000000xf32, #tpu.memory_space<hbm>>
            tpu.enqueue_indirect_dma source(%dma_start3A_154 : memref<1x1000000xf32, #tpu.memory_space<hbm>>) target(%dma_start3A_150 : memref<1x128xf32, #tpu.memory_space<vmem>>) offsets(%dma_start3A_151 : memref<1x128xi32, #tpu.memory_space<vmem>>) semaphore(%arg9 : memref<!tpu.dma_semaphore, #tpu.memory_space<semaphore_mem>>)
            %scan3A_155 = arith.constant 0 : i32
            %scan3A_156 = arith.constant 1 : i32
            %scan3A_157 = arith.addi %scan3A_140, %scan3A_156 : i32
            %mul3A_158 = arith.constant 128 : i32
            %mul3A_159 = arith.muli %add3A_132, %mul3A_158 : i32
            %mul3A_160 = arith.constant 512 : i32
            %mul3A_161 = arith.muli %scan3A_157, %mul3A_160 : i32
            %mul3A_162 = arith.constant 128 : i32
            %mul3A_163 = arith.muli %add3A_132, %mul3A_162 : i32
            %add3A_164 = arith.addi %mul3A_161, %mul3A_163 : i32
            %dma_start3A_165 = arith.constant 0 : i32
            %dma_start3A_166 = tpu.memref_slice %arg6[%dma_start3A_165, %add3A_164] : memref<1x13312xf32, #tpu.memory_space<vmem>> -> memref<1x128xf32, #tpu.memory_space<vmem>>
            %dma_start3A_167 = tpu.memref_slice %arg5[%scan3A_157, %mul3A_159] : memref<26x512xi32, #tpu.memory_space<vmem>> -> memref<1x128xi32, #tpu.memory_space<vmem>>
            %dma_start3A_168 = arith.constant 0 : i32
            %dma_start3A_169 = arith.constant 0 : i32
            %dma_start3A_170 = tpu.memref_slice %arg3[%dma_start3A_168, %dma_start3A_169] : memref<1x1000000xf32, #tpu.memory_space<hbm>> -> memref<1x1000000xf32, #tpu.memory_space<hbm>>
            tpu.enqueue_indirect_dma source(%dma_start3A_170 : memref<1x1000000xf32, #tpu.memory_space<hbm>>) target(%dma_start3A_166 : memref<1x128xf32, #tpu.memory_space<vmem>>) offsets(%dma_start3A_167 : memref<1x128xi32, #tpu.memory_space<vmem>>) semaphore(%arg9 : memref<!tpu.dma_semaphore, #tpu.memory_space<semaphore_mem>>)
            %scan3A_171 = arith.constant 0 : i32
            scf.yield %scan3A_171 : i32
          }
          %scan3A_139 = arith.constant 26 : i32
        } else {
        }
      } else {
      }
      %scan3A_85 = arith.constant 0 : i32
      %scan3A_86 = arith.constant 0 : i32
      %scan3A_87 = arith.constant 8 : i32
      %scan3A_88 = arith.addi %scan3A_86, %scan3A_87 : i32
      %scan3A_89 = arith.constant 2 : i32
      %scan3A_90 = scf.for %scan3A_102 = %scan3A_86 to %scan3A_88 step %scan3A_89 iter_args(%scan3A_103 = %scan3A_85) -> (i32)  : i32 {
        %mul3A_104 = arith.constant 8 : i32
        %mul3A_105 = arith.muli %scan3A_67, %mul3A_104 : i32
        %add3A_106 = arith.addi %mul3A_105, %scan3A_102 : i32
        %broadcast_in_dim3A = arith.constant 0.000000e+00 : f32
        %broadcast_in_dim3A_107 = vector.broadcast %broadcast_in_dim3A : f32 to vector<16xf32>
        %mul3A_108 = arith.constant 16 : i32
        %mul3A_109 = arith.muli %add3A_106, %mul3A_108 : i32
        %add3A_110 = arith.constant 0 : i32
        %add3A_111 = arith.addi %add3A_110, %mul3A_109 : i32
        %get3A = arith.constant 0 : i32
        %get3A_112 = arith.index_cast %get3A : i32 to index
        %get3A_113 = arith.index_cast %add3A_111 : i32 to index
        %get3A_114 = tpu.vector_load %arg6[%get3A_112, %get3A_113] {strides = array<i32>} : memref<1x13312xf32, #tpu.memory_space<vmem>>, vector<1x16xf32>,
        %get3A_115 = vector.shape_cast %get3A_114 : vector<1x16xf32> to vector<16xf32>
        %add3A_116 = arith.addf %broadcast_in_dim3A_107, %get3A_115 : vector<16xf32>
        %mul3A_117 = arith.constant 16 : i32
        %mul3A_118 = arith.muli %add3A_106, %mul3A_117 : i32
        %add3A_119 = arith.constant 512 : i32
        %add3A_120 = arith.addi %add3A_119, %mul3A_118 : i32
        %get3A_121 = arith.constant 0 : i32
        %get3A_122 = arith.index_cast %get3A_121 : i32 to index
        %get3A_123 = arith.index_cast %add3A_120 : i32 to index
        %get3A_124 = tpu.vector_load %arg6[%get3A_122, %get3A_123] {strides = array<i32>} : memref<1x13312xf32, #tpu.memory_space<vmem>>, vector<1x16xf32>,
        %get3A_125 = vector.shape_cast %get3A_124 : vector<1x16xf32> to vector<16xf32>
        %add3A_126 = arith.addf %add3A_116, %get3A_125 : vector<16xf32>
        %mul3A_127 = arith.constant 16 : i32
        %mul3A_128 = arith.muli %add3A_106, %mul3A_127 : i32
        %add3A_129 = arith.constant 1024 : i32
        %add3A_130 = arith.addi %add3A_129, %mul3A_128 : i32
        %get3A_131 = arith.constant 0 : i32
        %get3A_132 = arith.index_cast %get3A_131 : i32 to index
        %get3A_133 = arith.index_cast %add3A_130 : i32 to index
        %get3A_134 = tpu.vector_load %arg6[%get3A_132, %get3A_133] {strides = array<i32>} : memref<1x13312xf32, #tpu.memory_space<vmem>>, vector<1x16xf32>,
        %get3A_135 = vector.shape_cast %get3A_134 : vector<1x16xf32> to vector<16xf32>
        %add3A_136 = arith.addf %add3A_126, %get3A_135 : vector<16xf32>
        %mul3A_137 = arith.constant 16 : i32
        %mul3A_138 = arith.muli %add3A_106, %mul3A_137 : i32
        %add3A_139 = arith.constant 1536 : i32
        %add3A_140 = arith.addi %add3A_139, %mul3A_138 : i32
        %get3A_141 = arith.constant 0 : i32
        %get3A_142 = arith.index_cast %get3A_141 : i32 to index
        %get3A_143 = arith.index_cast %add3A_140 : i32 to index
        %get3A_144 = tpu.vector_load %arg6[%get3A_142, %get3A_143] {strides = array<i32>} : memref<1x13312xf32, #tpu.memory_space<vmem>>, vector<1x16xf32>,
        %get3A_145 = vector.shape_cast %get3A_144 : vector<1x16xf32> to vector<16xf32>
        %add3A_146 = arith.addf %add3A_136, %get3A_145 : vector<16xf32>
        %mul3A_147 = arith.constant 16 : i32
        %mul3A_148 = arith.muli %add3A_106, %mul3A_147 : i32
        %add3A_149 = arith.constant 2048 : i32
        %add3A_150 = arith.addi %add3A_149, %mul3A_148 : i32
        %get3A_151 = arith.constant 0 : i32
        %get3A_152 = arith.index_cast %get3A_151 : i32 to index
        %get3A_153 = arith.index_cast %add3A_150 : i32 to index
        %get3A_154 = tpu.vector_load %arg6[%get3A_152, %get3A_153] {strides = array<i32>} : memref<1x13312xf32, #tpu.memory_space<vmem>>, vector<1x16xf32>,
        %get3A_155 = vector.shape_cast %get3A_154 : vector<1x16xf32> to vector<16xf32>
        %add3A_156 = arith.addf %add3A_146, %get3A_155 : vector<16xf32>
        %mul3A_157 = arith.constant 16 : i32
        %mul3A_158 = arith.muli %add3A_106, %mul3A_157 : i32
        %add3A_159 = arith.constant 2560 : i32
        %add3A_160 = arith.addi %add3A_159, %mul3A_158 : i32
        %get3A_161 = arith.constant 0 : i32
        %get3A_162 = arith.index_cast %get3A_161 : i32 to index
        %get3A_163 = arith.index_cast %add3A_160 : i32 to index
        %get3A_164 = tpu.vector_load %arg6[%get3A_162, %get3A_163] {strides = array<i32>} : memref<1x13312xf32, #tpu.memory_space<vmem>>, vector<1x16xf32>,
        %get3A_165 = vector.shape_cast %get3A_164 : vector<1x16xf32> to vector<16xf32>
        %add3A_166 = arith.addf %add3A_156, %get3A_165 : vector<16xf32>
        %mul3A_167 = arith.constant 16 : i32
        %mul3A_168 = arith.muli %add3A_106, %mul3A_167 : i32
        %add3A_169 = arith.constant 3072 : i32
        %add3A_170 = arith.addi %add3A_169, %mul3A_168 : i32
        %get3A_171 = arith.constant 0 : i32
        %get3A_172 = arith.index_cast %get3A_171 : i32 to index
        %get3A_173 = arith.index_cast %add3A_170 : i32 to index
        %get3A_174 = tpu.vector_load %arg6[%get3A_172, %get3A_173] {strides = array<i32>} : memref<1x13312xf32, #tpu.memory_space<vmem>>, vector<1x16xf32>,
        %get3A_175 = vector.shape_cast %get3A_174 : vector<1x16xf32> to vector<16xf32>
        %add3A_176 = arith.addf %add3A_166, %get3A_175 : vector<16xf32>
        %mul3A_177 = arith.constant 16 : i32
        %mul3A_178 = arith.muli %add3A_106, %mul3A_177 : i32
        %add3A_179 = arith.constant 3584 : i32
        %add3A_180 = arith.addi %add3A_179, %mul3A_178 : i32
        %get3A_181 = arith.constant 0 : i32
        %get3A_182 = arith.index_cast %get3A_181 : i32 to index
        %get3A_183 = arith.index_cast %add3A_180 : i32 to index
        %get3A_184 = tpu.vector_load %arg6[%get3A_182, %get3A_183] {strides = array<i32>} : memref<1x13312xf32, #tpu.memory_space<vmem>>, vector<1x16xf32>,
        %get3A_185 = vector.shape_cast %get3A_184 : vector<1x16xf32> to vector<16xf32>
        %add3A_186 = arith.addf %add3A_176, %get3A_185 : vector<16xf32>
        %mul3A_187 = arith.constant 16 : i32
        %mul3A_188 = arith.muli %add3A_106, %mul3A_187 : i32
        %add3A_189 = arith.constant 4096 : i32
        %add3A_190 = arith.addi %add3A_189, %mul3A_188 : i32
        %get3A_191 = arith.constant 0 : i32
        %get3A_192 = arith.index_cast %get3A_191 : i32 to index
        %get3A_193 = arith.index_cast %add3A_190 : i32 to index
        %get3A_194 = tpu.vector_load %arg6[%get3A_192, %get3A_193] {strides = array<i32>} : memref<1x13312xf32, #tpu.memory_space<vmem>>, vector<1x16xf32>,
        %get3A_195 = vector.shape_cast %get3A_194 : vector<1x16xf32> to vector<16xf32>
        %add3A_196 = arith.addf %add3A_186, %get3A_195 : vector<16xf32>
        %mul3A_197 = arith.constant 16 : i32
        %mul3A_198 = arith.muli %add3A_106, %mul3A_197 : i32
        %add3A_199 = arith.constant 4608 : i32
        %add3A_200 = arith.addi %add3A_199, %mul3A_198 : i32
        %get3A_201 = arith.constant 0 : i32
        %get3A_202 = arith.index_cast %get3A_201 : i32 to index
        %get3A_203 = arith.index_cast %add3A_200 : i32 to index
        %get3A_204 = tpu.vector_load %arg6[%get3A_202, %get3A_203] {strides = array<i32>} : memref<1x13312xf32, #tpu.memory_space<vmem>>, vector<1x16xf32>,
        %get3A_205 = vector.shape_cast %get3A_204 : vector<1x16xf32> to vector<16xf32>
        %add3A_206 = arith.addf %add3A_196, %get3A_205 : vector<16xf32>
        %mul3A_207 = arith.constant 16 : i32
        %mul3A_208 = arith.muli %add3A_106, %mul3A_207 : i32
        %add3A_209 = arith.constant 5120 : i32
        %add3A_210 = arith.addi %add3A_209, %mul3A_208 : i32
        %get3A_211 = arith.constant 0 : i32
        %get3A_212 = arith.index_cast %get3A_211 : i32 to index
        %get3A_213 = arith.index_cast %add3A_210 : i32 to index
        %get3A_214 = tpu.vector_load %arg6[%get3A_212, %get3A_213] {strides = array<i32>} : memref<1x13312xf32, #tpu.memory_space<vmem>>, vector<1x16xf32>,
        %get3A_215 = vector.shape_cast %get3A_214 : vector<1x16xf32> to vector<16xf32>
        %add3A_216 = arith.addf %add3A_206, %get3A_215 : vector<16xf32>
        %mul3A_217 = arith.constant 16 : i32
        %mul3A_218 = arith.muli %add3A_106, %mul3A_217 : i32
        %add3A_219 = arith.constant 5632 : i32
        %add3A_220 = arith.addi %add3A_219, %mul3A_218 : i32
        %get3A_221 = arith.constant 0 : i32
        %get3A_222 = arith.index_cast %get3A_221 : i32 to index
        %get3A_223 = arith.index_cast %add3A_220 : i32 to index
        %get3A_224 = tpu.vector_load %arg6[%get3A_222, %get3A_223] {strides = array<i32>} : memref<1x13312xf32, #tpu.memory_space<vmem>>, vector<1x16xf32>,
        %get3A_225 = vector.shape_cast %get3A_224 : vector<1x16xf32> to vector<16xf32>
        %add3A_226 = arith.addf %add3A_216, %get3A_225 : vector<16xf32>
        %mul3A_227 = arith.constant 16 : i32
        %mul3A_228 = arith.muli %add3A_106, %mul3A_227 : i32
        %add3A_229 = arith.constant 6144 : i32
        %add3A_230 = arith.addi %add3A_229, %mul3A_228 : i32
        %get3A_231 = arith.constant 0 : i32
        %get3A_232 = arith.index_cast %get3A_231 : i32 to index
        %get3A_233 = arith.index_cast %add3A_230 : i32 to index
        %get3A_234 = tpu.vector_load %arg6[%get3A_232, %get3A_233] {strides = array<i32>} : memref<1x13312xf32, #tpu.memory_space<vmem>>, vector<1x16xf32>,
        %get3A_235 = vector.shape_cast %get3A_234 : vector<1x16xf32> to vector<16xf32>
        %add3A_236 = arith.addf %add3A_226, %get3A_235 : vector<16xf32>
        %mul3A_237 = arith.constant 16 : i32
        %mul3A_238 = arith.muli %add3A_106, %mul3A_237 : i32
        %add3A_239 = arith.constant 6656 : i32
        %add3A_240 = arith.addi %add3A_239, %mul3A_238 : i32
        %get3A_241 = arith.constant 0 : i32
        %get3A_242 = arith.index_cast %get3A_241 : i32 to index
        %get3A_243 = arith.index_cast %add3A_240 : i32 to index
        %get3A_244 = tpu.vector_load %arg6[%get3A_242, %get3A_243] {strides = array<i32>} : memref<1x13312xf32, #tpu.memory_space<vmem>>, vector<1x16xf32>,
        %get3A_245 = vector.shape_cast %get3A_244 : vector<1x16xf32> to vector<16xf32>
        %add3A_246 = arith.addf %add3A_236, %get3A_245 : vector<16xf32>
        %mul3A_247 = arith.constant 16 : i32
        %mul3A_248 = arith.muli %add3A_106, %mul3A_247 : i32
        %add3A_249 = arith.constant 7168 : i32
        %add3A_250 = arith.addi %add3A_249, %mul3A_248 : i32
        %get3A_251 = arith.constant 0 : i32
        %get3A_252 = arith.index_cast %get3A_251 : i32 to index
        %get3A_253 = arith.index_cast %add3A_250 : i32 to index
        %get3A_254 = tpu.vector_load %arg6[%get3A_252, %get3A_253] {strides = array<i32>} : memref<1x13312xf32, #tpu.memory_space<vmem>>, vector<1x16xf32>,
        %get3A_255 = vector.shape_cast %get3A_254 : vector<1x16xf32> to vector<16xf32>
        %add3A_256 = arith.addf %add3A_246, %get3A_255 : vector<16xf32>
        %mul3A_257 = arith.constant 16 : i32
        %mul3A_258 = arith.muli %add3A_106, %mul3A_257 : i32
        %add3A_259 = arith.constant 7680 : i32
        %add3A_260 = arith.addi %add3A_259, %mul3A_258 : i32
        %get3A_261 = arith.constant 0 : i32
        %get3A_262 = arith.index_cast %get3A_261 : i32 to index
        %get3A_263 = arith.index_cast %add3A_260 : i32 to index
        %get3A_264 = tpu.vector_load %arg6[%get3A_262, %get3A_263] {strides = array<i32>} : memref<1x13312xf32, #tpu.memory_space<vmem>>, vector<1x16xf32>,
        %get3A_265 = vector.shape_cast %get3A_264 : vector<1x16xf32> to vector<16xf32>
        %add3A_266 = arith.addf %add3A_256, %get3A_265 : vector<16xf32>
        %mul3A_267 = arith.constant 16 : i32
        %mul3A_268 = arith.muli %add3A_106, %mul3A_267 : i32
        %add3A_269 = arith.constant 8192 : i32
        %add3A_270 = arith.addi %add3A_269, %mul3A_268 : i32
        %get3A_271 = arith.constant 0 : i32
        %get3A_272 = arith.index_cast %get3A_271 : i32 to index
        %get3A_273 = arith.index_cast %add3A_270 : i32 to index
        %get3A_274 = tpu.vector_load %arg6[%get3A_272, %get3A_273] {strides = array<i32>} : memref<1x13312xf32, #tpu.memory_space<vmem>>, vector<1x16xf32>,
        %get3A_275 = vector.shape_cast %get3A_274 : vector<1x16xf32> to vector<16xf32>
        %add3A_276 = arith.addf %add3A_266, %get3A_275 : vector<16xf32>
        %mul3A_277 = arith.constant 16 : i32
        %mul3A_278 = arith.muli %add3A_106, %mul3A_277 : i32
        %add3A_279 = arith.constant 8704 : i32
        %add3A_280 = arith.addi %add3A_279, %mul3A_278 : i32
        %get3A_281 = arith.constant 0 : i32
        %get3A_282 = arith.index_cast %get3A_281 : i32 to index
        %get3A_283 = arith.index_cast %add3A_280 : i32 to index
        %get3A_284 = tpu.vector_load %arg6[%get3A_282, %get3A_283] {strides = array<i32>} : memref<1x13312xf32, #tpu.memory_space<vmem>>, vector<1x16xf32>,
        %get3A_285 = vector.shape_cast %get3A_284 : vector<1x16xf32> to vector<16xf32>
        %add3A_286 = arith.addf %add3A_276, %get3A_285 : vector<16xf32>
        %mul3A_287 = arith.constant 16 : i32
        %mul3A_288 = arith.muli %add3A_106, %mul3A_287 : i32
        %add3A_289 = arith.constant 9216 : i32
        %add3A_290 = arith.addi %add3A_289, %mul3A_288 : i32
        %get3A_291 = arith.constant 0 : i32
        %get3A_292 = arith.index_cast %get3A_291 : i32 to index
        %get3A_293 = arith.index_cast %add3A_290 : i32 to index
        %get3A_294 = tpu.vector_load %arg6[%get3A_292, %get3A_293] {strides = array<i32>} : memref<1x13312xf32, #tpu.memory_space<vmem>>, vector<1x16xf32>,
        %get3A_295 = vector.shape_cast %get3A_294 : vector<1x16xf32> to vector<16xf32>
        %add3A_296 = arith.addf %add3A_286, %get3A_295 : vector<16xf32>
        %mul3A_297 = arith.constant 16 : i32
        %mul3A_298 = arith.muli %add3A_106, %mul3A_297 : i32
        %add3A_299 = arith.constant 9728 : i32
        %add3A_300 = arith.addi %add3A_299, %mul3A_298 : i32
        %get3A_301 = arith.constant 0 : i32
        %get3A_302 = arith.index_cast %get3A_301 : i32 to index
        %get3A_303 = arith.index_cast %add3A_300 : i32 to index
        %get3A_304 = tpu.vector_load %arg6[%get3A_302, %get3A_303] {strides = array<i32>} : memref<1x13312xf32, #tpu.memory_space<vmem>>, vector<1x16xf32>,
        %get3A_305 = vector.shape_cast %get3A_304 : vector<1x16xf32> to vector<16xf32>
        %add3A_306 = arith.addf %add3A_296, %get3A_305 : vector<16xf32>
        %mul3A_307 = arith.constant 16 : i32
        %mul3A_308 = arith.muli %add3A_106, %mul3A_307 : i32
        %add3A_309 = arith.constant 10240 : i32
        %add3A_310 = arith.addi %add3A_309, %mul3A_308 : i32
        %get3A_311 = arith.constant 0 : i32
        %get3A_312 = arith.index_cast %get3A_311 : i32 to index
        %get3A_313 = arith.index_cast %add3A_310 : i32 to index
        %get3A_314 = tpu.vector_load %arg6[%get3A_312, %get3A_313] {strides = array<i32>} : memref<1x13312xf32, #tpu.memory_space<vmem>>, vector<1x16xf32>,
        %get3A_315 = vector.shape_cast %get3A_314 : vector<1x16xf32> to vector<16xf32>
        %add3A_316 = arith.addf %add3A_306, %get3A_315 : vector<16xf32>
        %mul3A_317 = arith.constant 16 : i32
        %mul3A_318 = arith.muli %add3A_106, %mul3A_317 : i32
        %add3A_319 = arith.constant 10752 : i32
        %add3A_320 = arith.addi %add3A_319, %mul3A_318 : i32
        %get3A_321 = arith.constant 0 : i32
        %get3A_322 = arith.index_cast %get3A_321 : i32 to index
        %get3A_323 = arith.index_cast %add3A_320 : i32 to index
        %get3A_324 = tpu.vector_load %arg6[%get3A_322, %get3A_323] {strides = array<i32>} : memref<1x13312xf32, #tpu.memory_space<vmem>>, vector<1x16xf32>,
        %get3A_325 = vector.shape_cast %get3A_324 : vector<1x16xf32> to vector<16xf32>
        %add3A_326 = arith.addf %add3A_316, %get3A_325 : vector<16xf32>
        %mul3A_327 = arith.constant 16 : i32
        %mul3A_328 = arith.muli %add3A_106, %mul3A_327 : i32
        %add3A_329 = arith.constant 11264 : i32
        %add3A_330 = arith.addi %add3A_329, %mul3A_328 : i32
        %get3A_331 = arith.constant 0 : i32
        %get3A_332 = arith.index_cast %get3A_331 : i32 to index
        %get3A_333 = arith.index_cast %add3A_330 : i32 to index
        %get3A_334 = tpu.vector_load %arg6[%get3A_332, %get3A_333] {strides = array<i32>} : memref<1x13312xf32, #tpu.memory_space<vmem>>, vector<1x16xf32>,
        %get3A_335 = vector.shape_cast %get3A_334 : vector<1x16xf32> to vector<16xf32>
        %add3A_336 = arith.addf %add3A_326, %get3A_335 : vector<16xf32>
        %mul3A_337 = arith.constant 16 : i32
        %mul3A_338 = arith.muli %add3A_106, %mul3A_337 : i32
        %add3A_339 = arith.constant 11776 : i32
        %add3A_340 = arith.addi %add3A_339, %mul3A_338 : i32
        %get3A_341 = arith.constant 0 : i32
        %get3A_342 = arith.index_cast %get3A_341 : i32 to index
        %get3A_343 = arith.index_cast %add3A_340 : i32 to index
        %get3A_344 = tpu.vector_load %arg6[%get3A_342, %get3A_343] {strides = array<i32>} : memref<1x13312xf32, #tpu.memory_space<vmem>>, vector<1x16xf32>,
        %get3A_345 = vector.shape_cast %get3A_344 : vector<1x16xf32> to vector<16xf32>
        %add3A_346 = arith.addf %add3A_336, %get3A_345 : vector<16xf32>
        %mul3A_347 = arith.constant 16 : i32
        %mul3A_348 = arith.muli %add3A_106, %mul3A_347 : i32
        %add3A_349 = arith.constant 12288 : i32
        %add3A_350 = arith.addi %add3A_349, %mul3A_348 : i32
        %get3A_351 = arith.constant 0 : i32
        %get3A_352 = arith.index_cast %get3A_351 : i32 to index
        %get3A_353 = arith.index_cast %add3A_350 : i32 to index
        %get3A_354 = tpu.vector_load %arg6[%get3A_352, %get3A_353] {strides = array<i32>} : memref<1x13312xf32, #tpu.memory_space<vmem>>, vector<1x16xf32>,
        %get3A_355 = vector.shape_cast %get3A_354 : vector<1x16xf32> to vector<16xf32>
        %add3A_356 = arith.addf %add3A_346, %get3A_355 : vector<16xf32>
        %mul3A_357 = arith.constant 16 : i32
        %mul3A_358 = arith.muli %add3A_106, %mul3A_357 : i32
        %add3A_359 = arith.constant 12800 : i32
        %add3A_360 = arith.addi %add3A_359, %mul3A_358 : i32
        %get3A_361 = arith.constant 0 : i32
        %get3A_362 = arith.index_cast %get3A_361 : i32 to index
        %get3A_363 = arith.index_cast %add3A_360 : i32 to index
        %get3A_364 = tpu.vector_load %arg6[%get3A_362, %get3A_363] {strides = array<i32>} : memref<1x13312xf32, #tpu.memory_space<vmem>>, vector<1x16xf32>,
        %get3A_365 = vector.shape_cast %get3A_364 : vector<1x16xf32> to vector<16xf32>
        %add3A_366 = arith.addf %add3A_356, %get3A_365 : vector<16xf32>
        %mul3A_367 = arith.constant 16 : i32
        %mul3A_368 = arith.muli %add3A_106, %mul3A_367 : i32
        %swap3A = arith.index_cast %mul3A_368 : i32 to index
        %swap3A_369 = tpu.vector_load %arg7[%swap3A] {strides = array<i32>} : memref<512xf32, #tpu.memory_space<vmem>>, vector<16xf32>,
        %swap3A_370 = vector.shape_cast %swap3A_369 : vector<16xf32> to vector<16xf32>
        %swap3A_371 = vector.shape_cast %add3A_366 : vector<16xf32> to vector<16xf32>
        tpu.vector_store %arg7[%swap3A], %swap3A_371 {strides = array<i32>} : memref<512xf32, #tpu.memory_space<vmem>>, vector<16xf32>,
        %scan3A_372 = arith.constant 0 : i32
        %scan3A_373 = arith.constant 1 : i32
        %scan3A_374 = arith.addi %scan3A_102, %scan3A_373 : i32
        %mul3A_375 = arith.constant 8 : i32
        %mul3A_376 = arith.muli %scan3A_67, %mul3A_375 : i32
        %add3A_377 = arith.addi %mul3A_376, %scan3A_374 : i32
        %broadcast_in_dim3A_378 = arith.constant 0.000000e+00 : f32
        %broadcast_in_dim3A_379 = vector.broadcast %broadcast_in_dim3A_378 : f32 to vector<16xf32>
        %mul3A_380 = arith.constant 16 : i32
        %mul3A_381 = arith.muli %add3A_377, %mul3A_380 : i32
        %add3A_382 = arith.constant 0 : i32
        %add3A_383 = arith.addi %add3A_382, %mul3A_381 : i32
        %get3A_384 = arith.constant 0 : i32
        %get3A_385 = arith.index_cast %get3A_384 : i32 to index
        %get3A_386 = arith.index_cast %add3A_383 : i32 to index
        %get3A_387 = tpu.vector_load %arg6[%get3A_385, %get3A_386] {strides = array<i32>} : memref<1x13312xf32, #tpu.memory_space<vmem>>, vector<1x16xf32>,
        %get3A_388 = vector.shape_cast %get3A_387 : vector<1x16xf32> to vector<16xf32>
        %add3A_389 = arith.addf %broadcast_in_dim3A_379, %get3A_388 : vector<16xf32>
        %mul3A_390 = arith.constant 16 : i32
        %mul3A_391 = arith.muli %add3A_377, %mul3A_390 : i32
        %add3A_392 = arith.constant 512 : i32
        %add3A_393 = arith.addi %add3A_392, %mul3A_391 : i32
        %get3A_394 = arith.constant 0 : i32
        %get3A_395 = arith.index_cast %get3A_394 : i32 to index
        %get3A_396 = arith.index_cast %add3A_393 : i32 to index
        %get3A_397 = tpu.vector_load %arg6[%get3A_395, %get3A_396] {strides = array<i32>} : memref<1x13312xf32, #tpu.memory_space<vmem>>, vector<1x16xf32>,
        %get3A_398 = vector.shape_cast %get3A_397 : vector<1x16xf32> to vector<16xf32>
        %add3A_399 = arith.addf %add3A_389, %get3A_398 : vector<16xf32>
        %mul3A_400 = arith.constant 16 : i32
        %mul3A_401 = arith.muli %add3A_377, %mul3A_400 : i32
        %add3A_402 = arith.constant 1024 : i32
        %add3A_403 = arith.addi %add3A_402, %mul3A_401 : i32
        %get3A_404 = arith.constant 0 : i32
        %get3A_405 = arith.index_cast %get3A_404 : i32 to index
        %get3A_406 = arith.index_cast %add3A_403 : i32 to index
        %get3A_407 = tpu.vector_load %arg6[%get3A_405, %get3A_406] {strides = array<i32>} : memref<1x13312xf32, #tpu.memory_space<vmem>>, vector<1x16xf32>,
        %get3A_408 = vector.shape_cast %get3A_407 : vector<1x16xf32> to vector<16xf32>
        %add3A_409 = arith.addf %add3A_399, %get3A_408 : vector<16xf32>
        %mul3A_410 = arith.constant 16 : i32
        %mul3A_411 = arith.muli %add3A_377, %mul3A_410 : i32
        %add3A_412 = arith.constant 1536 : i32
        %add3A_413 = arith.addi %add3A_412, %mul3A_411 : i32
        %get3A_414 = arith.constant 0 : i32
        %get3A_415 = arith.index_cast %get3A_414 : i32 to index
        %get3A_416 = arith.index_cast %add3A_413 : i32 to index
        %get3A_417 = tpu.vector_load %arg6[%get3A_415, %get3A_416] {strides = array<i32>} : memref<1x13312xf32, #tpu.memory_space<vmem>>, vector<1x16xf32>,
        %get3A_418 = vector.shape_cast %get3A_417 : vector<1x16xf32> to vector<16xf32>
        %add3A_419 = arith.addf %add3A_409, %get3A_418 : vector<16xf32>
        %mul3A_420 = arith.constant 16 : i32
        %mul3A_421 = arith.muli %add3A_377, %mul3A_420 : i32
        %add3A_422 = arith.constant 2048 : i32
        %add3A_423 = arith.addi %add3A_422, %mul3A_421 : i32
        %get3A_424 = arith.constant 0 : i32
        %get3A_425 = arith.index_cast %get3A_424 : i32 to index
        %get3A_426 = arith.index_cast %add3A_423 : i32 to index
        %get3A_427 = tpu.vector_load %arg6[%get3A_425, %get3A_426] {strides = array<i32>} : memref<1x13312xf32, #tpu.memory_space<vmem>>, vector<1x16xf32>,
        %get3A_428 = vector.shape_cast %get3A_427 : vector<1x16xf32> to vector<16xf32>
        %add3A_429 = arith.addf %add3A_419, %get3A_428 : vector<16xf32>
        %mul3A_430 = arith.constant 16 : i32
        %mul3A_431 = arith.muli %add3A_377, %mul3A_430 : i32
        %add3A_432 = arith.constant 2560 : i32
        %add3A_433 = arith.addi %add3A_432, %mul3A_431 : i32
        %get3A_434 = arith.constant 0 : i32
        %get3A_435 = arith.index_cast %get3A_434 : i32 to index
        %get3A_436 = arith.index_cast %add3A_433 : i32 to index
        %get3A_437 = tpu.vector_load %arg6[%get3A_435, %get3A_436] {strides = array<i32>} : memref<1x13312xf32, #tpu.memory_space<vmem>>, vector<1x16xf32>,
        %get3A_438 = vector.shape_cast %get3A_437 : vector<1x16xf32> to vector<16xf32>
        %add3A_439 = arith.addf %add3A_429, %get3A_438 : vector<16xf32>
        %mul3A_440 = arith.constant 16 : i32
        %mul3A_441 = arith.muli %add3A_377, %mul3A_440 : i32
        %add3A_442 = arith.constant 3072 : i32
        %add3A_443 = arith.addi %add3A_442, %mul3A_441 : i32
        %get3A_444 = arith.constant 0 : i32
        %get3A_445 = arith.index_cast %get3A_444 : i32 to index
        %get3A_446 = arith.index_cast %add3A_443 : i32 to index
        %get3A_447 = tpu.vector_load %arg6[%get3A_445, %get3A_446] {strides = array<i32>} : memref<1x13312xf32, #tpu.memory_space<vmem>>, vector<1x16xf32>,
        %get3A_448 = vector.shape_cast %get3A_447 : vector<1x16xf32> to vector<16xf32>
        %add3A_449 = arith.addf %add3A_439, %get3A_448 : vector<16xf32>
        %mul3A_450 = arith.constant 16 : i32
        %mul3A_451 = arith.muli %add3A_377, %mul3A_450 : i32
        %add3A_452 = arith.constant 3584 : i32
        %add3A_453 = arith.addi %add3A_452, %mul3A_451 : i32
        %get3A_454 = arith.constant 0 : i32
        %get3A_455 = arith.index_cast %get3A_454 : i32 to index
        %get3A_456 = arith.index_cast %add3A_453 : i32 to index
        %get3A_457 = tpu.vector_load %arg6[%get3A_455, %get3A_456] {strides = array<i32>} : memref<1x13312xf32, #tpu.memory_space<vmem>>, vector<1x16xf32>,
        %get3A_458 = vector.shape_cast %get3A_457 : vector<1x16xf32> to vector<16xf32>
        %add3A_459 = arith.addf %add3A_449, %get3A_458 : vector<16xf32>
        %mul3A_460 = arith.constant 16 : i32
        %mul3A_461 = arith.muli %add3A_377, %mul3A_460 : i32
        %add3A_462 = arith.constant 4096 : i32
        %add3A_463 = arith.addi %add3A_462, %mul3A_461 : i32
        %get3A_464 = arith.constant 0 : i32
        %get3A_465 = arith.index_cast %get3A_464 : i32 to index
        %get3A_466 = arith.index_cast %add3A_463 : i32 to index
        %get3A_467 = tpu.vector_load %arg6[%get3A_465, %get3A_466] {strides = array<i32>} : memref<1x13312xf32, #tpu.memory_space<vmem>>, vector<1x16xf32>,
        %get3A_468 = vector.shape_cast %get3A_467 : vector<1x16xf32> to vector<16xf32>
        %add3A_469 = arith.addf %add3A_459, %get3A_468 : vector<16xf32>
        %mul3A_470 = arith.constant 16 : i32
        %mul3A_471 = arith.muli %add3A_377, %mul3A_470 : i32
        %add3A_472 = arith.constant 4608 : i32
        %add3A_473 = arith.addi %add3A_472, %mul3A_471 : i32
        %get3A_474 = arith.constant 0 : i32
        %get3A_475 = arith.index_cast %get3A_474 : i32 to index
        %get3A_476 = arith.index_cast %add3A_473 : i32 to index
        %get3A_477 = tpu.vector_load %arg6[%get3A_475, %get3A_476] {strides = array<i32>} : memref<1x13312xf32, #tpu.memory_space<vmem>>, vector<1x16xf32>,
        %get3A_478 = vector.shape_cast %get3A_477 : vector<1x16xf32> to vector<16xf32>
        %add3A_479 = arith.addf %add3A_469, %get3A_478 : vector<16xf32>
        %mul3A_480 = arith.constant 16 : i32
        %mul3A_481 = arith.muli %add3A_377, %mul3A_480 : i32
        %add3A_482 = arith.constant 5120 : i32
        %add3A_483 = arith.addi %add3A_482, %mul3A_481 : i32
        %get3A_484 = arith.constant 0 : i32
        %get3A_485 = arith.index_cast %get3A_484 : i32 to index
        %get3A_486 = arith.index_cast %add3A_483 : i32 to index
        %get3A_487 = tpu.vector_load %arg6[%get3A_485, %get3A_486] {strides = array<i32>} : memref<1x13312xf32, #tpu.memory_space<vmem>>, vector<1x16xf32>,
        %get3A_488 = vector.shape_cast %get3A_487 : vector<1x16xf32> to vector<16xf32>
        %add3A_489 = arith.addf %add3A_479, %get3A_488 : vector<16xf32>
        %mul3A_490 = arith.constant 16 : i32
        %mul3A_491 = arith.muli %add3A_377, %mul3A_490 : i32
        %add3A_492 = arith.constant 5632 : i32
        %add3A_493 = arith.addi %add3A_492, %mul3A_491 : i32
        %get3A_494 = arith.constant 0 : i32
        %get3A_495 = arith.index_cast %get3A_494 : i32 to index
        %get3A_496 = arith.index_cast %add3A_493 : i32 to index
        %get3A_497 = tpu.vector_load %arg6[%get3A_495, %get3A_496] {strides = array<i32>} : memref<1x13312xf32, #tpu.memory_space<vmem>>, vector<1x16xf32>,
        %get3A_498 = vector.shape_cast %get3A_497 : vector<1x16xf32> to vector<16xf32>
        %add3A_499 = arith.addf %add3A_489, %get3A_498 : vector<16xf32>
        %mul3A_500 = arith.constant 16 : i32
        %mul3A_501 = arith.muli %add3A_377, %mul3A_500 : i32
        %add3A_502 = arith.constant 6144 : i32
        %add3A_503 = arith.addi %add3A_502, %mul3A_501 : i32
        %get3A_504 = arith.constant 0 : i32
        %get3A_505 = arith.index_cast %get3A_504 : i32 to index
        %get3A_506 = arith.index_cast %add3A_503 : i32 to index
        %get3A_507 = tpu.vector_load %arg6[%get3A_505, %get3A_506] {strides = array<i32>} : memref<1x13312xf32, #tpu.memory_space<vmem>>, vector<1x16xf32>,
        %get3A_508 = vector.shape_cast %get3A_507 : vector<1x16xf32> to vector<16xf32>
        %add3A_509 = arith.addf %add3A_499, %get3A_508 : vector<16xf32>
        %mul3A_510 = arith.constant 16 : i32
        %mul3A_511 = arith.muli %add3A_377, %mul3A_510 : i32
        %add3A_512 = arith.constant 6656 : i32
        %add3A_513 = arith.addi %add3A_512, %mul3A_511 : i32
        %get3A_514 = arith.constant 0 : i32
        %get3A_515 = arith.index_cast %get3A_514 : i32 to index
        %get3A_516 = arith.index_cast %add3A_513 : i32 to index
        %get3A_517 = tpu.vector_load %arg6[%get3A_515, %get3A_516] {strides = array<i32>} : memref<1x13312xf32, #tpu.memory_space<vmem>>, vector<1x16xf32>,
        %get3A_518 = vector.shape_cast %get3A_517 : vector<1x16xf32> to vector<16xf32>
        %add3A_519 = arith.addf %add3A_509, %get3A_518 : vector<16xf32>
        %mul3A_520 = arith.constant 16 : i32
        %mul3A_521 = arith.muli %add3A_377, %mul3A_520 : i32
        %add3A_522 = arith.constant 7168 : i32
        %add3A_523 = arith.addi %add3A_522, %mul3A_521 : i32
        %get3A_524 = arith.constant 0 : i32
        %get3A_525 = arith.index_cast %get3A_524 : i32 to index
        %get3A_526 = arith.index_cast %add3A_523 : i32 to index
        %get3A_527 = tpu.vector_load %arg6[%get3A_525, %get3A_526] {strides = array<i32>} : memref<1x13312xf32, #tpu.memory_space<vmem>>, vector<1x16xf32>,
        %get3A_528 = vector.shape_cast %get3A_527 : vector<1x16xf32> to vector<16xf32>
        %add3A_529 = arith.addf %add3A_519, %get3A_528 : vector<16xf32>
        %mul3A_530 = arith.constant 16 : i32
        %mul3A_531 = arith.muli %add3A_377, %mul3A_530 : i32
        %add3A_532 = arith.constant 7680 : i32
        %add3A_533 = arith.addi %add3A_532, %mul3A_531 : i32
        %get3A_534 = arith.constant 0 : i32
        %get3A_535 = arith.index_cast %get3A_534 : i32 to index
        %get3A_536 = arith.index_cast %add3A_533 : i32 to index
        %get3A_537 = tpu.vector_load %arg6[%get3A_535, %get3A_536] {strides = array<i32>} : memref<1x13312xf32, #tpu.memory_space<vmem>>, vector<1x16xf32>,
        %get3A_538 = vector.shape_cast %get3A_537 : vector<1x16xf32> to vector<16xf32>
        %add3A_539 = arith.addf %add3A_529, %get3A_538 : vector<16xf32>
        %mul3A_540 = arith.constant 16 : i32
        %mul3A_541 = arith.muli %add3A_377, %mul3A_540 : i32
        %add3A_542 = arith.constant 8192 : i32
        %add3A_543 = arith.addi %add3A_542, %mul3A_541 : i32
        %get3A_544 = arith.constant 0 : i32
        %get3A_545 = arith.index_cast %get3A_544 : i32 to index
        %get3A_546 = arith.index_cast %add3A_543 : i32 to index
        %get3A_547 = tpu.vector_load %arg6[%get3A_545, %get3A_546] {strides = array<i32>} : memref<1x13312xf32, #tpu.memory_space<vmem>>, vector<1x16xf32>,
        %get3A_548 = vector.shape_cast %get3A_547 : vector<1x16xf32> to vector<16xf32>
        %add3A_549 = arith.addf %add3A_539, %get3A_548 : vector<16xf32>
        %mul3A_550 = arith.constant 16 : i32
        %mul3A_551 = arith.muli %add3A_377, %mul3A_550 : i32
        %add3A_552 = arith.constant 8704 : i32
        %add3A_553 = arith.addi %add3A_552, %mul3A_551 : i32
        %get3A_554 = arith.constant 0 : i32
        %get3A_555 = arith.index_cast %get3A_554 : i32 to index
        %get3A_556 = arith.index_cast %add3A_553 : i32 to index
        %get3A_557 = tpu.vector_load %arg6[%get3A_555, %get3A_556] {strides = array<i32>} : memref<1x13312xf32, #tpu.memory_space<vmem>>, vector<1x16xf32>,
        %get3A_558 = vector.shape_cast %get3A_557 : vector<1x16xf32> to vector<16xf32>
        %add3A_559 = arith.addf %add3A_549, %get3A_558 : vector<16xf32>
        %mul3A_560 = arith.constant 16 : i32
        %mul3A_561 = arith.muli %add3A_377, %mul3A_560 : i32
        %add3A_562 = arith.constant 9216 : i32
        %add3A_563 = arith.addi %add3A_562, %mul3A_561 : i32
        %get3A_564 = arith.constant 0 : i32
        %get3A_565 = arith.index_cast %get3A_564 : i32 to index
        %get3A_566 = arith.index_cast %add3A_563 : i32 to index
        %get3A_567 = tpu.vector_load %arg6[%get3A_565, %get3A_566] {strides = array<i32>} : memref<1x13312xf32, #tpu.memory_space<vmem>>, vector<1x16xf32>,
        %get3A_568 = vector.shape_cast %get3A_567 : vector<1x16xf32> to vector<16xf32>
        %add3A_569 = arith.addf %add3A_559, %get3A_568 : vector<16xf32>
        %mul3A_570 = arith.constant 16 : i32
        %mul3A_571 = arith.muli %add3A_377, %mul3A_570 : i32
        %add3A_572 = arith.constant 9728 : i32
        %add3A_573 = arith.addi %add3A_572, %mul3A_571 : i32
        %get3A_574 = arith.constant 0 : i32
        %get3A_575 = arith.index_cast %get3A_574 : i32 to index
        %get3A_576 = arith.index_cast %add3A_573 : i32 to index
        %get3A_577 = tpu.vector_load %arg6[%get3A_575, %get3A_576] {strides = array<i32>} : memref<1x13312xf32, #tpu.memory_space<vmem>>, vector<1x16xf32>,
        %get3A_578 = vector.shape_cast %get3A_577 : vector<1x16xf32> to vector<16xf32>
        %add3A_579 = arith.addf %add3A_569, %get3A_578 : vector<16xf32>
        %mul3A_580 = arith.constant 16 : i32
        %mul3A_581 = arith.muli %add3A_377, %mul3A_580 : i32
        %add3A_582 = arith.constant 10240 : i32
        %add3A_583 = arith.addi %add3A_582, %mul3A_581 : i32
        %get3A_584 = arith.constant 0 : i32
        %get3A_585 = arith.index_cast %get3A_584 : i32 to index
        %get3A_586 = arith.index_cast %add3A_583 : i32 to index
        %get3A_587 = tpu.vector_load %arg6[%get3A_585, %get3A_586] {strides = array<i32>} : memref<1x13312xf32, #tpu.memory_space<vmem>>, vector<1x16xf32>,
        %get3A_588 = vector.shape_cast %get3A_587 : vector<1x16xf32> to vector<16xf32>
        %add3A_589 = arith.addf %add3A_579, %get3A_588 : vector<16xf32>
        %mul3A_590 = arith.constant 16 : i32
        %mul3A_591 = arith.muli %add3A_377, %mul3A_590 : i32
        %add3A_592 = arith.constant 10752 : i32
        %add3A_593 = arith.addi %add3A_592, %mul3A_591 : i32
        %get3A_594 = arith.constant 0 : i32
        %get3A_595 = arith.index_cast %get3A_594 : i32 to index
        %get3A_596 = arith.index_cast %add3A_593 : i32 to index
        %get3A_597 = tpu.vector_load %arg6[%get3A_595, %get3A_596] {strides = array<i32>} : memref<1x13312xf32, #tpu.memory_space<vmem>>, vector<1x16xf32>,
        %get3A_598 = vector.shape_cast %get3A_597 : vector<1x16xf32> to vector<16xf32>
        %add3A_599 = arith.addf %add3A_589, %get3A_598 : vector<16xf32>
        %mul3A_600 = arith.constant 16 : i32
        %mul3A_601 = arith.muli %add3A_377, %mul3A_600 : i32
        %add3A_602 = arith.constant 11264 : i32
        %add3A_603 = arith.addi %add3A_602, %mul3A_601 : i32
        %get3A_604 = arith.constant 0 : i32
        %get3A_605 = arith.index_cast %get3A_604 : i32 to index
        %get3A_606 = arith.index_cast %add3A_603 : i32 to index
        %get3A_607 = tpu.vector_load %arg6[%get3A_605, %get3A_606] {strides = array<i32>} : memref<1x13312xf32, #tpu.memory_space<vmem>>, vector<1x16xf32>,
        %get3A_608 = vector.shape_cast %get3A_607 : vector<1x16xf32> to vector<16xf32>
        %add3A_609 = arith.addf %add3A_599, %get3A_608 : vector<16xf32>
        %mul3A_610 = arith.constant 16 : i32
        %mul3A_611 = arith.muli %add3A_377, %mul3A_610 : i32
        %add3A_612 = arith.constant 11776 : i32
        %add3A_613 = arith.addi %add3A_612, %mul3A_611 : i32
        %get3A_614 = arith.constant 0 : i32
        %get3A_615 = arith.index_cast %get3A_614 : i32 to index
        %get3A_616 = arith.index_cast %add3A_613 : i32 to index
        %get3A_617 = tpu.vector_load %arg6[%get3A_615, %get3A_616] {strides = array<i32>} : memref<1x13312xf32, #tpu.memory_space<vmem>>, vector<1x16xf32>,
        %get3A_618 = vector.shape_cast %get3A_617 : vector<1x16xf32> to vector<16xf32>
        %add3A_619 = arith.addf %add3A_609, %get3A_618 : vector<16xf32>
        %mul3A_620 = arith.constant 16 : i32
        %mul3A_621 = arith.muli %add3A_377, %mul3A_620 : i32
        %add3A_622 = arith.constant 12288 : i32
        %add3A_623 = arith.addi %add3A_622, %mul3A_621 : i32
        %get3A_624 = arith.constant 0 : i32
        %get3A_625 = arith.index_cast %get3A_624 : i32 to index
        %get3A_626 = arith.index_cast %add3A_623 : i32 to index
        %get3A_627 = tpu.vector_load %arg6[%get3A_625, %get3A_626] {strides = array<i32>} : memref<1x13312xf32, #tpu.memory_space<vmem>>, vector<1x16xf32>,
        %get3A_628 = vector.shape_cast %get3A_627 : vector<1x16xf32> to vector<16xf32>
        %add3A_629 = arith.addf %add3A_619, %get3A_628 : vector<16xf32>
        %mul3A_630 = arith.constant 16 : i32
        %mul3A_631 = arith.muli %add3A_377, %mul3A_630 : i32
        %add3A_632 = arith.constant 12800 : i32
        %add3A_633 = arith.addi %add3A_632, %mul3A_631 : i32
        %get3A_634 = arith.constant 0 : i32
        %get3A_635 = arith.index_cast %get3A_634 : i32 to index
        %get3A_636 = arith.index_cast %add3A_633 : i32 to index
        %get3A_637 = tpu.vector_load %arg6[%get3A_635, %get3A_636] {strides = array<i32>} : memref<1x13312xf32, #tpu.memory_space<vmem>>, vector<1x16xf32>,
        %get3A_638 = vector.shape_cast %get3A_637 : vector<1x16xf32> to vector<16xf32>
        %add3A_639 = arith.addf %add3A_629, %get3A_638 : vector<16xf32>
        %mul3A_640 = arith.constant 16 : i32
        %mul3A_641 = arith.muli %add3A_377, %mul3A_640 : i32
        %swap3A_642 = arith.index_cast %mul3A_641 : i32 to index
        %swap3A_643 = tpu.vector_load %arg7[%swap3A_642] {strides = array<i32>} : memref<512xf32, #tpu.memory_space<vmem>>, vector<16xf32>,
        %swap3A_644 = vector.shape_cast %swap3A_643 : vector<16xf32> to vector<16xf32>
        %swap3A_645 = vector.shape_cast %add3A_639 : vector<16xf32> to vector<16xf32>
        tpu.vector_store %arg7[%swap3A_642], %swap3A_645 {strides = array<i32>} : memref<512xf32, #tpu.memory_space<vmem>>, vector<16xf32>,
        %scan3A_646 = arith.constant 0 : i32
        scf.yield %scan3A_646 : i32
      }
      %scan3A_91 = arith.constant 8 : i32
      %mul3A_92 = arith.constant 128 : i32
      %mul3A_93 = arith.muli %scan3A_67, %mul3A_92 : i32
      %mul3A_94 = arith.constant 128 : i32
      %mul3A_95 = arith.muli %scan3A_67, %mul3A_94 : i32
      %add3A_96 = arith.addi %mul3A_2, %mul3A_95 : i32
      %dma_start3A_97 = tpu.memref_slice %arg7[%mul3A_93] : memref<512xf32, #tpu.memory_space<vmem>> -> memref<128xf32, #tpu.memory_space<vmem>>
      %dma_start3A_98 = tpu.memref_slice %arg4[%add3A_96] : memref<16384xf32, #tpu.memory_space<hbm>> -> memref<128xf32, #tpu.memory_space<hbm>>
      %dma_start3A_99 = tpu.memref_slice %arg4[%add3A_96] : memref<16384xf32, #tpu.memory_space<hbm>> -> memref<128xf32, #tpu.memory_space<hbm>>
      %dma_start3A_100 = tpu.memref_slice %arg7[%mul3A_93] : memref<512xf32, #tpu.memory_space<vmem>> -> memref<128xf32, #tpu.memory_space<vmem>>
      tpu.enqueue_dma source(%dma_start3A_100 : memref<128xf32, #tpu.memory_space<vmem>>) target(%dma_start3A_99 : memref<128xf32, #tpu.memory_space<hbm>>) target_semaphore(%arg11 : memref<!tpu.dma_semaphore, #tpu.memory_space<semaphore_mem>>)
      %scan3A_101 = arith.constant 0 : i32
      scf.yield %scan3A_101 : i32
    }
    %scan3A_64 = arith.constant 4 : i32
    %dma_wait3A_65 = tpu.memref_slice %arg4[%mul3A_2] : memref<16384xf32, #tpu.memory_space<hbm>> -> memref<512xf32, #tpu.memory_space<hbm>>
    %dma_wait3A_66 = tpu.memref_slice %arg4[%mul3A_2] : memref<16384xf32, #tpu.memory_space<hbm>> -> memref<512xf32, #tpu.memory_space<hbm>>
    tpu.wait_dma2 semaphore(%arg11 : memref<!tpu.dma_semaphore, #tpu.memory_space<semaphore_mem>>) src(%arg7 : memref<512xf32, #tpu.memory_space<vmem>>) dst(%dma_wait3A_66 : memref<512xf32, #tpu.memory_space<hbm>>)
    return
  }
}

module attributes {stable_mosaic.version = 14 : i64} {
  func.func @_fm_body(%arg0: i32, %arg1: memref<416x2048xf32, #tpu.memory_space<vmem>>, %arg2: memref<2048xf32, #tpu.memory_space<vmem>>) attributes {dimension_semantics = [#tpu.dimension_semantics<arbitrary>], iteration_bounds = array<i64: 8>, scalar_prefetch = 0 : i64, scratch_operands = 0 : i64, tpu.core_type = #tpu.core_type<tc>, window_params = [{transform_indices = @transform_0, window_bounds = array<i64: 416, 2048>}, {transform_indices = @transform_1, window_bounds = array<i64: 2048>}]} {
    %get3A = arith.constant 0 : index
    %get3A_0 = arith.constant 0 : index
    %get3A_1 = vector.load %arg1[%get3A, %get3A_0] : memref<416x2048xf32, #tpu.memory_space<vmem>>, vector<416x2048xf32>
    %reshape3A = vector.shape_cast %get3A_1 : vector<416x2048xf32> to vector<26x16x2048xf32>
    %reduce_sum3A = arith.constant dense<0.000000e+00> : vector<16x2048xf32>
    %reduce_sum3A_2 = vector.multi_reduction <add>, %reshape3A, %reduce_sum3A [0] : vector<26x16x2048xf32> to vector<16x2048xf32>
    %mul3A = arith.mulf %reduce_sum3A_2, %reduce_sum3A_2 : vector<16x2048xf32>
    %reduce_sum3A_3 = arith.constant dense<0.000000e+00> : vector<2048xf32>
    %reduce_sum3A_4 = vector.multi_reduction <add>, %mul3A, %reduce_sum3A_3 [0] : vector<16x2048xf32> to vector<2048xf32>
    %mul3A_5 = arith.mulf %get3A_1, %get3A_1 : vector<416x2048xf32>
    %reduce_sum3A_6 = arith.constant dense<0.000000e+00> : vector<2048xf32>
    %reduce_sum3A_7 = vector.multi_reduction <add>, %mul3A_5, %reduce_sum3A_6 [0] : vector<416x2048xf32> to vector<2048xf32>
    %sub3A = arith.subf %reduce_sum3A_4, %reduce_sum3A_7 : vector<2048xf32>
    %mul3A_8 = arith.constant 5.000000e-01 : f32
    %mul3A_9 = vector.broadcast %mul3A_8 : f32 to vector<2048xf32>
    %mul3A_10 = arith.mulf %mul3A_9, %sub3A : vector<2048xf32>
    %swap3A = arith.constant 0 : index
    %swap3A_11 = vector.load %arg2[%swap3A] : memref<2048xf32, #tpu.memory_space<vmem>>, vector<2048xf32>
    tpu.vector_store %arg2[%swap3A], %mul3A_10 {strides = array<i32>} : memref<2048xf32, #tpu.memory_space<vmem>>, vector<2048xf32>,
    return
  }
  func.func @transform_0(%arg0: i32) -> (i32, i32) {
    %c0_i32 = arith.constant 0 : i32
    %c0_i32_0 = arith.constant 0 : i32
    return %c0_i32, %arg0 : i32, i32
  }
  func.func @transform_1(%arg0: i32) -> i32 {
    %c0_i32 = arith.constant 0 : i32
    return %arg0 : i32
  }
}

</mosaic_0001>

<sc_bundles>
// kernel: kernel.4.cloned.1.call-start
scs
__scs_entry_jumppad:
0x0: {  	(pc) =	sbr.rel $0x88, $3  }
0x1: {  	(tag) =	ssettag $0x0;
	lr =	simm.s32 $0x1  }
0x2: {  	[smem:$0x3F9D] =	sst lr;
	_ =	strace $0xD0000000  }
0x3: {  	_ = 	snop  }
0x4: {  	_ = 	snop  }
0x5: {  	_ = 	snop  }
0x6: {  	_ = 	snop  }
0x7: {  	_ = 	snop  }
__scs_overlays_trampoline_lowered:
0x8: {  	[smem:$0x3FAC] =	sst s0  }
0x9: {  	[smem:$0x3FAD] =	sst s1  }
0xa: {  	[smem:$0x3FAE] =	sst s2  }
0xb: {  	[smem:$0x3FAF] =	sst s3  }
0xc: {  	[smem:$0x3FB0] =	sst s4  }
0xd: {  	[smem:$0x3FB1] =	sst s5  }
0xe: {  	[smem:$0x3FB2] =	sst s6  }
0xf: {  	[smem:$0x3FB3] =	sst s7  }
0x10: {  	[smem:$0x3FB4] =	sst s8  }
0x11: {  	[smem:$0x3FB5] =	sst s9;
	s0 =	simm.s32 @!p0 $0x0  }
0x12: {  	s1 =	sld [smem:$0x3F9B];
	s0 =	simm.s32 @p0 $0x1  }
0x13: {  	[smem:$0x3FB6] =	sst s0;
	s0 =	simm.s32 @!p1 $0x0  }
0x14: {  	s2 =	sld [smem:$0x3F9A];
	s0 =	simm.s32 @p1 $0x1  }
0x15: {  	[smem:$0x3FB7] =	sst s0;
	s0 =	simm.s32 @!p2 $0x0  }
0x16: {  	s3 =	sld [smem:$0x3FDB];
	s0 =	simm.s32 @p2 $0x1  }
0x17: {  	s4 =	simm.s32 $0x1BF5;
	[smem:$0x3FB9] =	sst s0  }
0x18: {  	s0 =	sld [smem:$0x3F9C];
	_ =	swait.ge [sflag:s4], $0x0  }
0x19: {  	s7 =	sld [smem:$0x3F9D]  }
0x1a: {  	s8 =	sadd.s32 $0xFFFFE003, lr  }
0x1b: {  	s9 =	sadd.s32 $0xFFFFFEF7, lr;
	s5 =	simm.s32 $0xFFFFFFFF;
	p2 =	slt.u32 s8, $0xFFFFF086  }
0x1c: {  	p1 =	slt.u32 s9, $0xF7A;
	s5 =	simm.s32 @!p2 $0x0  }
0x1d: {  	s5 =	simm.s32 @p1 $0x1;
	p0 =	seq.s32 s7, s2  }
0x1e: {  	s7 =	smul.u32 @!p0 $0xF7A, s2;
	p2 =	seq.s32 @!p0 s5, $0x0  }
0x1f: {  	s9 =	smul.u32 $0xF7A, s1;
	s8 =	simm.s32 @!p0 $0x1BF5;
	p2 =	por !p2, p0  }
0x20: {  	[sflag:s8] =	ssyncset.s32 @!p0 $0xFFFFF086;
	s6 =	sadd.s32 @!p0 s3, s7;
	s7 =	simm.s32 @!p0 $0x108  }
0x21: {  	s3 =	sadd.s32 s3, s9;
	s6 =	sadd.s32 @!p0 $0x88, s6;
	s7 =	simm.s32 @p2 $0x1082  }
0x22: {  	[simem:s7], [sflag:s8] =	dma.local @!p0 [hbm:s6], $0xF7A  }
0x23: {  	s9 =	sor.u32 $0xD0000000, s2;
	s6 =	simm.s32 $0x108;
	_ =	swait.ge @!p0 [sflag:s8], $0x0  }
0x24: {  	s3 =	sadd.s32 $0x88, s3;
	s6 =	simm.s32 @!p1 $0x1082;
	[sflag:s4] =	ssyncset.s32 $0xFFFFF086  }
0x25: {  	[simem:s6], [sflag:s4] =	dma.local [hbm:s3], $0xF7A  }
0x26: {  	[smem:$0x3F9D] =	sst s1;
	(tag) =	ssettag s2;
	_ =	strace s9  }
0x27: {  	s1 =	sld [smem:$0x3FAD]  }
0x28: {  	s2 =	sld [smem:$0x3FAE]  }
0x29: {  	s4 =	sld [smem:$0x3FB0]  }
0x2a: {  	p0 =	seq.s32 s5, $0x0;
	s5 =	sld [smem:$0x3FB1]  }
0x2b: {  	s6 =	sld [smem:$0x3FB2]  }
0x2c: {  	s7 =	sld [smem:$0x3FB3]  }
0x2d: {  	s3 =	simm.s32 $0x108;
	s8 =	sld [smem:$0x3FB4]  }
0x2e: {  	s3 =	simm.s32 @!p0 $0x1082;
	s9 =	sld [smem:$0x3FB5]  }
0x2f: {  	lr =	sadd.s32 s0, s3;
	s0 =	sld [smem:$0x3FAC]  }
0x30: {  	s3 =	sld [smem:$0x3FAF]  }
0x31: {  	[smem:$0x3FB8] =	sst s10  }
0x32: {  	s10 =	sld [smem:$0x3FB6];
	_ =	sdelay $0x3  }
0x33: {  	p0 =	seq.s32 s10, $0x1;
	s10 =	sld [smem:$0x3FB8];
	_ =	sdelay $0x3  }
0x34: {  	[smem:$0x3FB8] =	sst s10  }
0x35: {  	s10 =	sld [smem:$0x3FB7];
	_ =	sdelay $0x3  }
0x36: {  	p1 =	seq.s32 s10, $0x1;
	s10 =	sld [smem:$0x3FB8];
	_ =	sdelay $0x3  }
0x37: {  	[smem:$0x3FB8] =	sst s10  }
0x38: {  	s10 =	sld [smem:$0x3FB9]  }
0x39: {  	_ = 	snop;
	(pc) =	sbr.ind lr, $3  }
0x3a: {  	_ = 	snop  }
0x3b: {  	_ = 	snop  }
0x3c: {  	p2 =	seq.s32 s10, $0x1;
	s10 =	sld [smem:$0x3FB8]  }
0x3d: {  	_ =	shalt  }
0x3e: {  	_ =	shalt  }
0x3f: {  	_ =	shalt  }
0x40: {  	_ =	shalt  }
0x41: {  	_ =	shalt  }
0x42: {  	_ =	shalt  }
0x43: {  	_ =	shalt  }
0x44: {  	_ =	shalt  }
0x45: {  	_ =	shalt  }
0x46: {  	_ =	shalt  }
0x47: {  	_ =	shalt  }
0x48: {  	_ =	shalt  }
0x49: {  	_ =	shalt  }
0x4a: {  	_ =	shalt  }
0x4b: {  	_ =	shalt  }
0x4c: {  	_ =	shalt  }
0x4d: {  	_ =	shalt  }
0x4e: {  	_ =	shalt  }
0x4f: {  	_ =	shalt  }
0x50: {  	_ =	shalt  }
0x51: {  	_ =	shalt  }
0x52: {  	_ =	shalt  }
0x53: {  	_ =	shalt  }
0x54: {  	_ =	shalt  }
0x55: {  	_ =	shalt  }
0x56: {  	_ =	shalt  }
0x57: {  	_ =	shalt  }
0x58: {  	_ =	shalt  }
0x59: {  	_ =	shalt  }
0x5a: {  	_ =	shalt  }
0x5b: {  	_ =	shalt  }
0x5c: {  	_ =	shalt  }
0x5d: {  	_ =	shalt  }
0x5e: {  	_ =	shalt  }
0x5f: {  	_ =	shalt  }
0x60: {  	_ =	shalt  }
0x61: {  	_ =	shalt  }
0x62: {  	_ =	shalt  }
0x63: {  	_ =	shalt  }
0x64: {  	_ =	shalt  }
0x65: {  	_ =	shalt  }
0x66: {  	_ =	shalt  }
0x67: {  	_ =	shalt  }
0x68: {  	_ =	shalt  }
0x69: {  	_ =	shalt  }
0x6a: {  	_ =	shalt  }
0x6b: {  	_ =	shalt  }
0x6c: {  	_ =	shalt  }
0x6d: {  	_ =	shalt  }
0x6e: {  	_ =	shalt  }
0x6f: {  	_ =	shalt  }
0x70: {  	_ =	shalt  }
0x71: {  	_ =	shalt  }
0x72: {  	_ =	shalt  }
0x73: {  	_ =	shalt  }
0x74: {  	_ =	shalt  }
0x75: {  	_ =	shalt  }
0x76: {  	_ =	shalt  }
0x77: {  	_ =	shalt  }
0x78: {  	_ =	shalt  }
0x79: {  	_ =	shalt  }
0x7a: {  	_ =	shalt  }
0x7b: {  	_ =	shalt  }
0x7c: {  	_ =	shalt  }
0x7d: {  	_ =	shalt  }
0x7e: {  	_ =	shalt  }
0x7f: {  	_ =	shalt  }
0x80: {  	_ =	shalt  }
0x81: {  	_ =	shalt  }
0x82: {  	_ =	shalt  }
0x83: {  	_ =	shalt  }
0x84: {  	_ =	shalt  }
0x85: {  	_ =	shalt  }
0x86: {  	_ =	shalt  }
0x87: {  	_ =	shalt  }
.Lfunc_end0:
.L_simem_size_0:
called_computation_lowered:
.L_overlay_start_0:
0x88: {  	s2 =	sld [smem:$0x3FD9]  }
0x89: {  	s3 =	sld [smem:$0x3FFE];
	_ =	sdelay $0x1  }
0x8a: {  	s1 =	srdreg.scid  }
0x8b: {  	s0 =	sand.u32 $0x1, s1  }
0x8c: {  	s18 =	sshll.u32 s0, $0xA;
	s2 =	sadd.s32 s3, s2  }
0x8d: {  	s2 =	sadd.s32 s2, s18  }
0x8e: {  	[smem:$0x3FC4] =	sst s2  }
0x8f: {  	_ = 	snop  }
0x90: {  	s2 =	sld [smem:$0x3FC9]  }
0x91: {  	s19 =	sld [smem:$0x3FC7]  }
0x92: {  	s4 =	sld [smem:$0x3FD0];
	(tm) =	ssettm $0x1  }
0x93: {  	s5 =	sld [smem:$0x3FFB];
	_ =	sdelay $0x3  }
0x94: {  	_ =	strace s5  }
0x95: {  	s5 =	sld [smem:$0x3FFC];
	_ =	sdelay $0x3  }
0x96: {  	_ =	strace s5  }
0x97: {  	s5 =	sld [smem:$0x3FFD];
	_ =	sdelay $0x3  }
0x98: {  	_ =	strace s5  }
0x99: {  	_ =	strace $0x8FFFFFFF  }
0x9a: {  	s20 =	sld [smem:$0x3FDB];
	_ =	sdelay $0x1  }
0x9b: {  	s6 =	simm.s32 $_scs_section_size  }
0x9c: {  	s7 =	simm.s32 $_size__tile_overlayer_lowered;
	s8 =	simm.s32 $_tile_overlayer_lowered  }
0x9d: {  	s23 =	simm.s32 $0x1BFF;
	s22 =	sshll.u32 s8, $0x1;
	s5 =	sadd.s32 s6, s20  }
0x9e: {  	s9 =	simm.s32 $0x0;
	s21 =	sshll.u32 s7, $0x1;
	s7 =	sadd.s32 s22, s5  }
0x9f: {  	[timem:s9], [sflag:s23] =	dma.local [hbm:s7], s21  }
0xa0: {  	_ =	swait.ge [sflag:s23], s21  }
0xa1: {  	s6 =	ssub.s32 $0x0, s21;
	[sflag:s23] =	ssyncset.done $0x0  }
0xa2: {  	[sflag:s23] =	ssyncadd.s32 s6;
	_ =	sdelay $0x1  }
0xa3: {  	s24 =	simm.s32 $0x1B8B  }
0xa4: {  	_ =	swait.ge [sflag:s24], $0x1  }
0xa5: {  	[sflag:s24] =	ssyncset.done $0x0  }
0xa6: {  	s25 =	simm.s32 $0x1B8E;
	[sflag:s24] =	ssyncadd.s32 $0xFFFFFFFF  }
0xa7: {  	s26 =	simm.s32 $execute0_lowered;
	[smem:$0x3FD2] =	sst s25  }
0xa8: {  	s6 =	sshll.u32 s26, $0x1;
	_ =	strace $0x80000046;
	[dreg:$0x1] =	wrdreg $0xFFFFFFFF  }
0xa9: {  	s28 =	simm.s32 $_size_execute0_lowered;
	s5 =	sadd.s32 s5, s6;
	[dreg:$0x0] =	wrdreg $0x0  }
0xaa: {  	s6 =	sshll.u32 s28, $0x1;
	[dreg:$0x2] =	wrdreg s5  }
0xab: {  	[dreg:$0x3] =	wrdreg s6  }
0xac: {  	[dreg:$0x4] =	wrdreg $0xC0  }
0xad: {  	_ =	task [dreg:s9], $0x5FFFF  }
0xae: {  	[dreg:$0x1] =	wrdreg $0xFFFFFFFF  }
0xaf: {  	[dreg:$0x0] =	wrdreg $0x60  }
0xb0: {  	[dreg:$0x2] =	wrdreg s2  }
0xb1: {  	[dreg:$0x3] =	wrdreg s19  }
0xb2: {  	[dreg:$0x4] =	wrdreg s4  }
0xb3: {  	[dreg:$0x5] =	wrdreg $0x9  }
0xb4: {  	_ =	task.clear_ibuf [dreg:s9], $0x6FFFF;
	_ =	strace $0x90000046  }
0xb5: {  	s29 =	simm.s32 $0x9;
	_ =	strace $0x80000048  }
0xb6: {  	_ =	swait.ge [sflag:s29], $0x1  }
0xb7: {  	[sflag:s29] =	ssyncadd.s32 $0xFFFFFFFF  }
0xb8: {  	_ =	strace $0x90000048  }
0xb9: {  	_ =	sfence  }
0xba: {  	s30 =	sld [smem:$0x0];
	_ =	sdelay $0x2  }
0xbb: {  	s31 =	sshll.u32 s1, $0xD;
	s1 =	sshrl.u32 s1, $0x2  }
0xbc: {  	s3 =	sand.u32 $0x4000, s31;
	s1 =	sadd.s32 s1, s30  }
0xbd: {  	s0 =	sor.u32 s3, s0;
	s1 =	sshll.u32 s1, $0x11  }
0xbe: {  	s0 =	sor.u32 s1, s0  }
0xbf: {  	s0 =	sadd.s32 $0x8F2B, s0  }
0xc0: {  	[sflag:s0] =	ssyncadd.remote.s32 $0x1  }
0xc1: {  	_ =	sfence.sel $0xFFFF  }
0xc2: {  	[dreg:$0x0] =	wrdreg $0xFFFFFFFF;
	(pc) =	sbr.abs _section_cstart, $3  }
0xc3: {  	[dreg:$0x1] =	wrdreg $0xFFFFFFFF  }
0xc4: {  	_ =	task.clear_ibuf [dreg:s9], $0x2FFFF;
	_ =	strace $0x9FFFFFFF  }
0xc5: {  	(tm) =	ssettm $0x7FFFFFFF  }
tec
execute0_lowered:
.L_overlay_start_1:
0x0: {  	(tag) =	ssettag $0x1  }
0x1: {  	s0 =	rddreg [dreg:$0x0]  }
0x2: {  	s1 =	rddreg [dreg:$0x1]  }
0x3: {  	s3 =	rddreg [dreg:$0x2];
	s2 =	srdreg.scid;
	s4 =	simm.s32 $0x0  }
0x4: {  	s5 =	stileid.u32;
	s20 =	simm.s32 $0x2400;
	s21 =	simm.s32 $0x3400  }
0x5: {  	s22 =	simm.s32 $0x3;
	s23 =	simm.s32 $0x80;
	s24 =	simm.s32 $0x2  }
0x6: {  	s25 =	simm.s32 $0x4;
	s26 =	simm.s32 $0x1;
	s2 =	sand.u32 $0x1, s2  }
0x7: {  	s5 =	sshll.u32 s5, $0xA;
	s6 =	ssub.s32 $0x2, s2;
	s2 =	sshll.u32 s2, $0x9  }
0x8: {  	s28 =	simm.s32 $0x0;
	s7 =	sshrl.u32 s6, $0x1;
	s5 =	sor.u32 s2, s5  }
0x9: {  	[smem:$0x7FF] =	sst s4;
	s31 =	ssub.s32 s6, s7;
	s6 =	sadd.s32 s0, s5  }
0xa: {  	_ =	strace $0x80000047;
	s7 =	sadd.s32 $0x80, s6;
	s8 =	smax.u32 s31, $0x1  }
0xb: {  	s9 =	sadd.s32 $0x4000, s6;
	s10 =	sadd.s32 $0x8000, s6;
	s11 =	sadd.s32 $0xC000, s6  }
0xc: {  	s12 =	sadd.s32 $0x4080, s6;
	s13 =	sadd.s32 $0x8080, s6;
	s14 =	sadd.s32 $0xC080, s6  }
.LBB2_1:
0xd: {  	[tilespmem:s4], [sflag:$0x3] =	stream.linear.gather [hbm4b:s6+s4], $0x400, $0x38;
	[tilespmem:$0x7600] =	vst v63  }
0xe: {  	s0 =	simm.s32 $0x1000  }
0xf: {  	[tilespmem:s0], [sflag:$0x3] =	stream.linear.gather [hbm4b:s9+s4], $0x400, $0x38;
	[tilespmem:$0x7600] =	vst v63  }
0x10: {  	s17 =	simm.s32 $0x2000  }
0x11: {  	[tilespmem:s17], [sflag:$0x3] =	stream.linear.gather [hbm4b:s10+s4], $0x400, $0x38;
	[tilespmem:$0x7600] =	vst v63  }
0x12: {  	s18 =	simm.s32 $0x3000  }
0x13: {  	[tilespmem:s18], [sflag:$0x3] =	stream.linear.gather [hbm4b:s11+s4], $0x400, $0x38;
	[tilespmem:$0x7600] =	vst v63  }
0x14: {  	s19 =	simm.s32 $0x400  }
0x15: {  	[tilespmem:s19], [sflag:$0x3] =	stream.linear.gather [hbm4b:s7+s4], $0x400, $0x38;
	[tilespmem:$0x7600] =	vst v63  }
0x16: {  	s29 =	simm.s32 $0x1400  }
0x17: {  	[tilespmem:s29], [sflag:$0x3] =	stream.linear.gather [hbm4b:s12+s4], $0x400, $0x38;
	[tilespmem:$0x7600] =	vst v63  }
0x18: {  	_ = 	snop  }
0x19: {  	[tilespmem:s20], [sflag:$0x3] =	stream.linear.gather [hbm4b:s13+s4], $0x400, $0x38;
	[tilespmem:$0x7600] =	vst v63  }
0x1a: {  	_ = 	snop  }
0x1b: {  	[tilespmem:s21], [sflag:$0x3] =	stream.linear.gather [hbm4b:s14+s4], $0x400, $0x38;
	[tilespmem:$0x7600] =	vst v63  }
0x1c: {  	s30 =	simm.s32 $0x0;
	s2 =	sand.u32 $0x3000, s4;
	_ =	swait.ge [sflag:s22], $0x1000  }
0x1d: {  	s15 =	simm.s32 $0x4000;
	s0 =	sand.u32 $0x300, s30;
	[sflag:s22] =	ssyncset.done $0x0  }
0x1e: {  	s16 =	sand.u32 $0x380, s23;
	s0 =	sor.u32 s0, s2;
	[sflag:s22] =	ssyncadd.s32 $0xFFFFF000  }
0x1f: {  	[tilespmem:s15], [sflag:$0x1] =	stream.indirect.gather [hbm4b:s1+s23], $0x1, s0, s23, $0xb8;
	[tilespmem:$0x7600] =	vst v63  }
0x20: {  	s31 =	simm.s32 $0x4200;
	s2 =	sor.u32 s16, s2;
	s16 =	simm.s32 $0x0  }
0x21: {  	[tilespmem:s31], [sflag:$0x1] =	stream.indirect.gather [hbm4b:s1+s23], $0x1, s2, s23, $0xb8;
	[tilespmem:$0x7600] =	vst v63  }
0x22: {  	s0 =	simm.s32 $0x0;
	s15 =	simm.s32 $0x4600;
	s2 =	simm.s32 $0x180  }
.LBB2_2:
0x23: {  	s17 =	sadd.s32 $0xFFFFFF80, s2  }
0x24: {  	s0 =	sadd.s32 $0x2, s0;
	s16 =	sadd.s32 $0x400, s16;
	s30 =	sadd.s32 $0xFFFFFE00, s15  }
0x25: {  	s29 =	sand.u32 $0x3000, s16;
	s17 =	sand.u32 $0x300, s17;
	p0 =	slt.u32 s0, $0x18  }
.Ltmp0:
0x26: {  	s31 =	sand.u32 $0x380, s2;
	s17 =	sor.u32 s17, s29;
	(pc) =	sbr.rel @p0 .LBB2_2-.Ltmp0, $4  }
0x27: {  	[tilespmem:s30], [sflag:$0x1] =	stream.indirect.gather [hbm4b:s1+s23], $0x1, s17, s23, $0xb8;
	[tilespmem:$0x7600] =	vst v63  }
0x28: {  	s17 =	sor.u32 s31, s29  }
0x29: {  	[tilespmem:s15], [sflag:$0x1] =	stream.indirect.gather [hbm4b:s1+s23], $0x1, s17, s23, $0xb8;
	[tilespmem:$0x7600] =	vst v63  }
0x2a: {  	s2 =	sadd.s32 $0x100, s2;
	s15 =	sadd.s32 $0x400, s15  }
0x2b: {  	_ =	swait.ge [sflag:s22], $0x1000  }
0x2c: {  	s29 =	simm.s32 $0x0;
	s0 =	simm.s32 $0x0;
	s2 =	simm.s32 $0x80  }
0x2d: {  	s16 =	simm.s32 $0x4080;
	s15 =	sand.u32 $0x3000, s29;
	s0 =	sand.u32 $0x300, s0  }
0x2e: {  	[sflag:s22] =	ssyncset.done $0x0;
	s2 =	sand.u32 $0x380, s2;
	s0 =	sor.u32 s0, s15  }
0x2f: {  	[sflag:s22] =	ssyncadd.s32 $0xFFFFF000;
	s2 =	sor.u32 s2, s15;
	s0 =	sor.u32 $0x400, s0  }
0x30: {  	[tilespmem:s16], [sflag:$0x2] =	stream.indirect.gather [hbm4b:s1+s23], $0x1, s0, s23, $0xb8;
	[tilespmem:$0x7600] =	vst v63  }
0x31: {  	s2 =	sor.u32 $0x400, s2;
	s0 =	simm.s32 $0x4280  }
0x32: {  	[tilespmem:s0], [sflag:$0x2] =	stream.indirect.gather [hbm4b:s1+s23], $0x1, s2, s23, $0xb8;
	[tilespmem:$0x7600] =	vst v63  }
0x33: {  	s15 =	simm.s32 $0x180;
	s16 =	simm.s32 $0x0;
	s2 =	simm.s32 $0x0  }
.LBB2_4:
0x34: {  	s17 =	sadd.s32 $0xFFFFFF80, s15  }
0x35: {  	s2 =	sadd.s32 $0x2, s2;
	s16 =	sadd.s32 $0x400, s16;
	s31 =	sand.u32 $0x380, s15  }
0x36: {  	s30 =	sand.u32 $0x3000, s16;
	s17 =	sand.u32 $0x300, s17;
	p0 =	slt.u32 s2, $0x18  }
.Ltmp1:
0x37: {  	s0 =	sadd.s32 $0x400, s0;
	s17 =	sor.u32 s17, s30;
	(pc) =	sbr.rel @p0 .LBB2_4-.Ltmp1, $4  }
0x38: {  	s18 =	sadd.s32 $0xFFFFFE00, s0;
	s30 =	sor.u32 s31, s30;
	s17 =	sor.u32 $0x400, s17  }
0x39: {  	[tilespmem:s18], [sflag:$0x2] =	stream.indirect.gather [hbm4b:s1+s23], $0x1, s17, s23, $0xb8;
	[tilespmem:$0x7600] =	vst v63  }
0x3a: {  	s15 =	sadd.s32 $0x100, s15;
	s17 =	sor.u32 $0x400, s30  }
0x3b: {  	[tilespmem:s0], [sflag:$0x2] =	stream.indirect.gather [hbm4b:s1+s23], $0x1, s17, s23, $0xb8;
	[tilespmem:$0x7600] =	vst v63  }
.LBB2_5:
0x3c: {  	p0 =	sgt.u32 s29, $0x1  }
0x3d: {  	s0 =	sor.u32 @!p0 $0x2, s29  }
0x3e: {  	s31 =	sand.u32 $0x1, s29;
	s2 =	sshll.u32 @!p0 s0, $0x7;
	s0 =	sshll.u32 @!p0 s0, $0xA  }
0x3f: {  	s15 =	simm.s32 @!p0 $0x0;
	s2 =	sadd.s32 @!p0 s2, s6;
	s0 =	sand.u32 @!p0 $0x3FFFFC00, s0  }
0x40: {  	[tilespmem:s0], [sflag:$0x3] =	stream.linear.gather @!p0 [hbm4b:s2+s15], $0x400, $0x38;
	[tilespmem:$0x7600] =	vst v63  }
0x41: {  	p1 =	seq.s32 s31, $0x1;
	s16 =	sadd.s32 @!p0 $0x4000, s2;
	s17 =	sadd.s32 @!p0 $0x1000, s0  }
0x42: {  	[tilespmem:s17], [sflag:$0x3] =	stream.linear.gather @!p0 [hbm4b:s16+s15], $0x400, $0x38;
	[tilespmem:$0x7600] =	vst v63  }
.Ltmp2:
0x43: {  	_ = 	snop;
	(pc) =	sbr.rel @!p1 .LBB2_6-.Ltmp2, $4  }
0x44: {  	s16 =	sadd.s32 @!p0 $0x8000, s2;
	s17 =	sadd.s32 @!p0 $0x2000, s0  }
0x45: {  	[tilespmem:s17], [sflag:$0x3] =	stream.linear.gather @!p0 [hbm4b:s16+s15], $0x400, $0x38;
	[tilespmem:$0x7600] =	vst v63  }
0x46: {  	s2 =	sadd.s32 @!p0 $0xC000, s2;
	s0 =	sadd.s32 @!p0 $0x3000, s0  }
0x47: {  	[tilespmem:s0], [sflag:$0x3] =	stream.linear.gather @!p0 [hbm4b:s2+s15], $0x400, $0x38;
	[tilespmem:$0x7600] =	vst v63  }
.Ltmp3:
0x48: {  	(pc) =	sbr.rel @p0 .LBB2_14-.Ltmp3, $4  }
0x49: {  	_ = 	snop  }
0x4a: {  	_ =	swait.ge [sflag:s24], $0xD00  }
0x4b: {  	[sflag:s24] =	ssyncset.done $0x0  }
0x4c: {  	[sflag:s24] =	ssyncadd.s32 $0xFFFFF300  }
0x4d: {  	_ =	swait.ge [sflag:s22], $0x1000;
	s0 =	simm.s32 $0x0;
	s2 =	simm.s32 $0x0  }
0x4e: {  	s16 =	simm.s32 $0x80;
	s15 =	simm.s32 $0x4180;
	[sflag:s22] =	ssyncset.done $0x0  }
0x4f: {  	s0 =	sand.u32 $0x3000, s0;
	s2 =	sand.u32 $0x300, s2;
	s16 =	sand.u32 $0x380, s16  }
0x50: {  	[sflag:s22] =	ssyncadd.s32 $0xFFFFF000;
	s17 =	sor.u32 $0xC00, s0;
	s0 =	simm.s32 $0x4380  }
0x51: {  	s2 =	sor.u32 s2, s17;
	s30 =	sor.u32 s16, s17;
	s16 =	simm.s32 $0x180  }
0x52: {  	[tilespmem:s15], [sflag:$0x2] =	stream.indirect.gather [hbm4b:s1+s23], $0x1, s2, s23, $0xb8;
	[tilespmem:$0x7600] =	vst v63  }
0x53: {  	s17 =	simm.s32 $0x4780;
	s2 =	simm.s32 $0x0;
	s15 =	simm.s32 $0x400  }
.LBB2_12:
0x54: {  	[tilespmem:s0], [sflag:$0x2] =	stream.indirect.gather [hbm4b:s1+s23], $0x1, s30, s23, $0xb8;
	[tilespmem:$0x7600] =	vst v63  }
0x55: {  	s18 =	smov.u32 s15;
	s0 =	smov.u32 s17;
	s2 =	sadd.s32 $0x2, s2  }
0x56: {  	s15 =	sadd.s32 $0x400, s15;
	p0 =	slt.u32 s2, $0x18  }
.Ltmp4:
0x57: {  	s19 =	sadd.s32 $0xFFFFFF80, s16;
	s18 =	sand.u32 $0x3000, s18;
	(pc) =	sbr.rel @p0 .LBB2_12-.Ltmp4, $4  }
0x58: {  	s19 =	sand.u32 $0x300, s19;
	s18 =	sor.u32 $0xC00, s18  }
0x59: {  	s30 =	sadd.s32 $0xFFFFFE00, s17;
	s31 =	sand.u32 $0x380, s16;
	s19 =	sor.u32 s19, s18  }
0x5a: {  	[tilespmem:s30], [sflag:$0x2] =	stream.indirect.gather [hbm4b:s1+s23], $0x1, s19, s23, $0xb8;
	[tilespmem:$0x7600] =	vst v63  }
0x5b: {  	s16 =	sadd.s32 $0x100, s16;
	s17 =	sadd.s32 $0x400, s17;
	s30 =	sor.u32 s31, s18  }
.Ltmp5:
0x5c: {  	(pc) =	sbr.rel .LBB2_14-.Ltmp5, $2  }
0x5d: {  	_ =	sdelay $0x2  }
0x5e: {  	[tilespmem:s0], [sflag:$0x2] =	stream.indirect.gather [hbm4b:s1+s23], $0x1, s30, s23, $0xb8;
	[tilespmem:$0x7600] =	vst v63  }
.LBB2_6:
.Ltmp6:
0x5f: {  	(pc) =	sbr.rel @p0 .LBB2_14-.Ltmp6, $4  }
0x60: {  	_ = 	snop  }
0x61: {  	_ =	swait.ge [sflag:s26], $0xD00  }
0x62: {  	[sflag:s26] =	ssyncset.done $0x0  }
0x63: {  	[sflag:s26] =	ssyncadd.s32 $0xFFFFF300  }
0x64: {  	_ =	swait.ge [sflag:s22], $0x1000;
	s0 =	simm.s32 $0x0;
	s2 =	simm.s32 $0x0  }
0x65: {  	s16 =	simm.s32 $0x80;
	s15 =	simm.s32 $0x4100;
	[sflag:s22] =	ssyncset.done $0x0  }
0x66: {  	s0 =	sand.u32 $0x3000, s0;
	s2 =	sand.u32 $0x300, s2;
	s16 =	sand.u32 $0x380, s16  }
0x67: {  	[sflag:s22] =	ssyncadd.s32 $0xFFFFF000;
	s17 =	sor.u32 $0x800, s0;
	s0 =	simm.s32 $0x4300  }
0x68: {  	s2 =	sor.u32 s2, s17;
	s30 =	sor.u32 s16, s17;
	s16 =	simm.s32 $0x180  }
0x69: {  	[tilespmem:s15], [sflag:$0x1] =	stream.indirect.gather [hbm4b:s1+s23], $0x1, s2, s23, $0xb8;
	[tilespmem:$0x7600] =	vst v63  }
0x6a: {  	s17 =	simm.s32 $0x4700;
	s2 =	simm.s32 $0x0;
	s15 =	simm.s32 $0x400  }
.LBB2_8:
0x6b: {  	[tilespmem:s0], [sflag:$0x1] =	stream.indirect.gather [hbm4b:s1+s23], $0x1, s30, s23, $0xb8;
	[tilespmem:$0x7600] =	vst v63  }
0x6c: {  	s18 =	smov.u32 s15;
	s0 =	smov.u32 s17;
	s2 =	sadd.s32 $0x2, s2  }
0x6d: {  	s15 =	sadd.s32 $0x400, s15;
	p0 =	slt.u32 s2, $0x18  }
.Ltmp7:
0x6e: {  	s30 =	sadd.s32 $0xFFFFFF80, s16;
	s18 =	sand.u32 $0x3000, s18;
	(pc) =	sbr.rel @p0 .LBB2_8-.Ltmp7, $4  }
0x6f: {  	s30 =	sand.u32 $0x300, s30;
	s18 =	sor.u32 $0x800, s18  }
0x70: {  	s31 =	sadd.s32 $0xFFFFFE00, s17;
	s19 =	sand.u32 $0x380, s16;
	s30 =	sor.u32 s30, s18  }
0x71: {  	[tilespmem:s31], [sflag:$0x1] =	stream.indirect.gather [hbm4b:s1+s23], $0x1, s30, s23, $0xb8;
	[tilespmem:$0x7600] =	vst v63  }
0x72: {  	s16 =	sadd.s32 $0x100, s16;
	s17 =	sadd.s32 $0x400, s17;
	s30 =	sor.u32 s19, s18  }
0x73: {  	[tilespmem:s0], [sflag:$0x1] =	stream.indirect.gather [hbm4b:s1+s23], $0x1, s30, s23, $0xb8;
	[tilespmem:$0x7600] =	vst v63  }
.LBB2_14:
0x74: {  	s30 =	sshll.u32 s29, $0x7;
	s0 =	simm.s32 $0x0  }
0x75: {  	s31 =	sor.u32 s0, s30  }
0x76: {  	v0 =	vld [tilespmem:s31+$0x4000];
	s0 =	sand.u32 $0x180, s31  }
0x77: {  	s2 =	sadd.s32 $0x7200, s0  }
0x78: {  	v1 =	vld [tilespmem:s2+$0xFFFFD000];
	_ =	sdelay $0x1  }
0x79: {  	v2 =	vld [tilespmem:s2+$0xFFFFD200]  }
0x7a: {  	v0 =	vadd.f32 $0.0e+00, v0  }
0x7b: {  	v3 =	vld [tilespmem:s2+$0xFFFFD400]  }
0x7c: {  	v0 =	vadd.f32 v1, v0  }
0x7d: {  	v1 =	vld [tilespmem:s2+$0xFFFFD600]  }
0x7e: {  	v0 =	vadd.f32 v2, v0  }
0x7f: {  	v2 =	vld [tilespmem:s2+$0xFFFFD800]  }
0x80: {  	v0 =	vadd.f32 v3, v0  }
0x81: {  	v3 =	vld [tilespmem:s2+$0xFFFFDA00]  }
0x82: {  	v0 =	vadd.f32 v1, v0  }
0x83: {  	v1 =	vld [tilespmem:s2+$0xFFFFDC00]  }
0x84: {  	v0 =	vadd.f32 v2, v0  }
0x85: {  	v2 =	vld [tilespmem:s2+$0xFFFFDE00]  }
0x86: {  	v0 =	vadd.f32 v3, v0  }
0x87: {  	v3 =	vld [tilespmem:s2+$0xFFFFE000]  }
0x88: {  	v0 =	vadd.f32 v1, v0  }
0x89: {  	v1 =	vld [tilespmem:s2+$0xFFFFE200]  }
0x8a: {  	v0 =	vadd.f32 v2, v0  }
0x8b: {  	v2 =	vld [tilespmem:s2+$0xFFFFE400]  }
0x8c: {  	v0 =	vadd.f32 v3, v0  }
0x8d: {  	v3 =	vld [tilespmem:s2+$0xFFFFE600]  }
0x8e: {  	v0 =	vadd.f32 v1, v0  }
0x8f: {  	v1 =	vld [tilespmem:s2+$0xFFFFE800]  }
0x90: {  	v0 =	vadd.f32 v2, v0  }
0x91: {  	v2 =	vld [tilespmem:s2+$0xFFFFEA00]  }
0x92: {  	v0 =	vadd.f32 v3, v0  }
0x93: {  	v3 =	vld [tilespmem:s2+$0xFFFFEC00]  }
0x94: {  	v0 =	vadd.f32 v1, v0  }
0x95: {  	v1 =	vld [tilespmem:s2+$0xFFFFEE00]  }
0x96: {  	v0 =	vadd.f32 v2, v0  }
0x97: {  	v2 =	vld [tilespmem:s2+$0xFFFFF000]  }
0x98: {  	v0 =	vadd.f32 v3, v0  }
0x99: {  	v3 =	vld [tilespmem:s2+$0xFFFFF200]  }
0x9a: {  	v0 =	vadd.f32 v1, v0  }
0x9b: {  	v1 =	vld [tilespmem:s2+$0xFFFFF400]  }
0x9c: {  	v0 =	vadd.f32 v2, v0  }
0x9d: {  	v2 =	vld [tilespmem:s2+$0xFFFFF600]  }
0x9e: {  	v0 =	vadd.f32 v3, v0  }
0x9f: {  	v3 =	vld [tilespmem:s2+$0xFFFFF800]  }
0xa0: {  	v0 =	vadd.f32 v1, v0  }
0xa1: {  	v1 =	vld [tilespmem:s2+$0xFFFFFA00]  }
0xa2: {  	v0 =	vadd.f32 v2, v0  }
0xa3: {  	v2 =	vld [tilespmem:s2+$0xFFFFFC00]  }
0xa4: {  	v0 =	vadd.f32 v3, v0  }
0xa5: {  	v3 =	vld [tilespmem:s2+$0xFFFFFE00]  }
0xa6: {  	v0 =	vadd.f32 v1, v0  }
0xa7: {  	v1 =	vld [tilespmem:s2+$0x0]  }
0xa8: {  	v0 =	vadd.f32 v2, v0;
	_ =	sdelay $0x1  }
0xa9: {  	v0 =	vadd.f32 v3, v0;
	_ =	sdelay $0x1  }
0xaa: {  	s19 =	sor.u32 $0x10, s31;
	v0 =	vadd.f32 v1, v0  }
0xab: {  	s2 =	sand.u32 $0x70, s19;
	v1 =	vld [tilespmem:s31+$0x4010]  }
0xac: {  	s15 =	sor.u32 s2, s0;
	[tilespmem:s31+$0x7400] =	vst v0  }
0xad: {  	v0 =	vld [tilespmem:s15+$0x4200];
	_ =	sdelay $0x1  }
0xae: {  	v2 =	vld [tilespmem:s15+$0x4400]  }
0xaf: {  	v1 =	vadd.f32 $0.0e+00, v1  }
0xb0: {  	v3 =	vld [tilespmem:s15+$0x4600]  }
0xb1: {  	v0 =	vadd.f32 v0, v1  }
0xb2: {  	v1 =	vld [tilespmem:s15+$0x4800]  }
0xb3: {  	v0 =	vadd.f32 v2, v0  }
0xb4: {  	v2 =	vld [tilespmem:s15+$0x4A00]  }
0xb5: {  	v0 =	vadd.f32 v3, v0  }
0xb6: {  	v3 =	vld [tilespmem:s15+$0x4C00]  }
0xb7: {  	v0 =	vadd.f32 v1, v0  }
0xb8: {  	v1 =	vld [tilespmem:s15+$0x4E00]  }
0xb9: {  	v0 =	vadd.f32 v2, v0  }
0xba: {  	v2 =	vld [tilespmem:s15+$0x5000]  }
0xbb: {  	v0 =	vadd.f32 v3, v0  }
0xbc: {  	v3 =	vld [tilespmem:s15+$0x5200]  }
0xbd: {  	v0 =	vadd.f32 v1, v0  }
0xbe: {  	v1 =	vld [tilespmem:s15+$0x5400]  }
0xbf: {  	v0 =	vadd.f32 v2, v0  }
0xc0: {  	v2 =	vld [tilespmem:s15+$0x5600]  }
0xc1: {  	v0 =	vadd.f32 v3, v0  }
0xc2: {  	v3 =	vld [tilespmem:s15+$0x5800]  }
0xc3: {  	v0 =	vadd.f32 v1, v0  }
0xc4: {  	v1 =	vld [tilespmem:s15+$0x5A00]  }
0xc5: {  	v0 =	vadd.f32 v2, v0  }
0xc6: {  	v2 =	vld [tilespmem:s15+$0x5C00]  }
0xc7: {  	v0 =	vadd.f32 v3, v0  }
0xc8: {  	v3 =	vld [tilespmem:s15+$0x5E00]  }
0xc9: {  	v0 =	vadd.f32 v1, v0  }
0xca: {  	v1 =	vld [tilespmem:s15+$0x6000]  }
0xcb: {  	v0 =	vadd.f32 v2, v0  }
0xcc: {  	v2 =	vld [tilespmem:s15+$0x6200]  }
0xcd: {  	v0 =	vadd.f32 v3, v0  }
0xce: {  	v3 =	vld [tilespmem:s15+$0x6400]  }
0xcf: {  	v0 =	vadd.f32 v1, v0  }
0xd0: {  	v1 =	vld [tilespmem:s15+$0x6600]  }
0xd1: {  	v0 =	vadd.f32 v2, v0  }
0xd2: {  	v2 =	vld [tilespmem:s15+$0x6800]  }
0xd3: {  	v0 =	vadd.f32 v3, v0  }
0xd4: {  	v3 =	vld [tilespmem:s15+$0x6A00]  }
0xd5: {  	v0 =	vadd.f32 v1, v0  }
0xd6: {  	v1 =	vld [tilespmem:s15+$0x6C00]  }
0xd7: {  	v0 =	vadd.f32 v2, v0  }
0xd8: {  	v2 =	vld [tilespmem:s15+$0x6E00]  }
0xd9: {  	v0 =	vadd.f32 v3, v0;
	_ =	sdelay $0x1  }
0xda: {  	v3 =	vld [tilespmem:s15+$0x7000];
	v0 =	vadd.f32 v1, v0;
	_ =	sdelay $0x1  }
0xdb: {  	v1 =	vadd.f32 v2, v0;
	v0 =	vld [tilespmem:s15+$0x7200];
	_ =	sdelay $0x2  }
0xdc: {  	v1 =	vadd.f32 v3, v1  }
0xdd: {  	s0 =	simm.s32 $0x7200;
	s2 =	simm.s32 $0x0;
	s15 =	simm.s32 $0x20  }
.LBB2_15:
0xde: {  	s18 =	sor.u32 s15, s30;
	s2 =	sadd.s32 $0x2, s2;
	v0 =	vadd.f32 v0, v1  }
0xdf: {  	s0 =	sadd.s32 $0x20, s0;
	v1 =	vld [tilespmem:s18+$0x4000];
	s16 =	sand.u32 $0x180, s18;
	p0 =	slt.u32 s2, $0x6  }
0xe0: {  	s17 =	sadd.s32 s16, s0;
	[tilespmem:s31+$0x7410] =	vst v0;
	s31 =	smov.u32 s18  }
0xe1: {  	v0 =	vld [tilespmem:s17+$0xFFFFD000]  }
0xe2: {  	v2 =	vld [tilespmem:s17+$0xFFFFD200]  }
0xe3: {  	v3 =	vld [tilespmem:s17+$0xFFFFD400]  }
0xe4: {  	v1 =	vadd.f32 $0.0e+00, v1;
	v4 =	vld [tilespmem:s17+$0xFFFFD600]  }
0xe5: {  	v5 =	vld [tilespmem:s17+$0xFFFFD800]  }
0xe6: {  	v0 =	vadd.f32 v0, v1;
	v1 =	vld [tilespmem:s17+$0xFFFFDA00]  }
0xe7: {  	v6 =	vld [tilespmem:s17+$0xFFFFDC00]  }
0xe8: {  	v0 =	vadd.f32 v2, v0;
	v2 =	vld [tilespmem:s17+$0xFFFFDE00]  }
0xe9: {  	v7 =	vld [tilespmem:s17+$0xFFFFE000]  }
0xea: {  	v0 =	vadd.f32 v3, v0;
	v3 =	vld [tilespmem:s17+$0xFFFFE200]  }
0xeb: {  	v8 =	vld [tilespmem:s17+$0xFFFFE400]  }
0xec: {  	v0 =	vadd.f32 v4, v0;
	v4 =	vld [tilespmem:s17+$0xFFFFE600]  }
0xed: {  	v9 =	vld [tilespmem:s17+$0xFFFFE800]  }
0xee: {  	v0 =	vadd.f32 v5, v0;
	v5 =	vld [tilespmem:s17+$0xFFFFEA00]  }
0xef: {  	v10 =	vld [tilespmem:s17+$0xFFFFEC00]  }
0xf0: {  	v0 =	vadd.f32 v1, v0;
	v1 =	vld [tilespmem:s17+$0xFFFFEE00]  }
0xf1: {  	v11 =	vld [tilespmem:s17+$0xFFFFF000]  }
0xf2: {  	v0 =	vadd.f32 v6, v0;
	v6 =	vld [tilespmem:s17+$0xFFFFF200]  }
0xf3: {  	v12 =	vld [tilespmem:s17+$0xFFFFF400]  }
0xf4: {  	v0 =	vadd.f32 v2, v0;
	v2 =	vld [tilespmem:s17+$0xFFFFF600]  }
0xf5: {  	v13 =	vld [tilespmem:s17+$0xFFFFF800]  }
0xf6: {  	v0 =	vadd.f32 v7, v0;
	v7 =	vld [tilespmem:s17+$0xFFFFFA00]  }
0xf7: {  	v14 =	vld [tilespmem:s17+$0xFFFFFC00]  }
0xf8: {  	v0 =	vadd.f32 v3, v0;
	v3 =	vld [tilespmem:s17+$0xFFFFFE00]  }
0xf9: {  	v15 =	vld [tilespmem:s17+$0x0]  }
0xfa: {  	v0 =	vadd.f32 v8, v0;
	_ =	sdelay $0x1  }
0xfb: {  	v0 =	vadd.f32 v4, v0;
	_ =	sdelay $0x1  }
0xfc: {  	v0 =	vadd.f32 v9, v0;
	_ =	sdelay $0x1  }
0xfd: {  	v0 =	vadd.f32 v5, v0;
	_ =	sdelay $0x1  }
0xfe: {  	v0 =	vadd.f32 v10, v0;
	_ =	sdelay $0x1  }
0xff: {  	v0 =	vadd.f32 v1, v0;
	_ =	sdelay $0x1  }
0x100: {  	v0 =	vadd.f32 v11, v0;
	_ =	sdelay $0x1  }
0x101: {  	v0 =	vadd.f32 v6, v0;
	_ =	sdelay $0x1  }
0x102: {  	v0 =	vadd.f32 v12, v0;
	_ =	sdelay $0x1  }
0x103: {  	v0 =	vadd.f32 v2, v0;
	_ =	sdelay $0x1  }
0x104: {  	v0 =	vadd.f32 v13, v0;
	_ =	sdelay $0x1  }
0x105: {  	v0 =	vadd.f32 v7, v0;
	_ =	sdelay $0x1  }
0x106: {  	v0 =	vadd.f32 v14, v0;
	_ =	sdelay $0x1  }
0x107: {  	v0 =	vadd.f32 v3, v0;
	_ =	sdelay $0x1  }
0x108: {  	s17 =	sor.u32 $0x10, s31;
	v0 =	vadd.f32 v15, v0  }
0x109: {  	s17 =	sand.u32 $0x70, s17;
	v1 =	vld [tilespmem:s31+$0x4010]  }
0x10a: {  	s16 =	sor.u32 s17, s16;
	[tilespmem:s31+$0x7400] =	vst v0  }
0x10b: {  	v0 =	vld [tilespmem:s16+$0x4200]  }
0x10c: {  	v2 =	vld [tilespmem:s16+$0x4400]  }
0x10d: {  	v3 =	vld [tilespmem:s16+$0x4600]  }
0x10e: {  	v1 =	vadd.f32 $0.0e+00, v1;
	v4 =	vld [tilespmem:s16+$0x4800]  }
0x10f: {  	v5 =	vld [tilespmem:s16+$0x4A00]  }
0x110: {  	v0 =	vadd.f32 v0, v1;
	v1 =	vld [tilespmem:s16+$0x4C00]  }
0x111: {  	v6 =	vld [tilespmem:s16+$0x4E00]  }
0x112: {  	v0 =	vadd.f32 v2, v0;
	v2 =	vld [tilespmem:s16+$0x5000]  }
0x113: {  	v7 =	vld [tilespmem:s16+$0x5200]  }
0x114: {  	v0 =	vadd.f32 v3, v0;
	v3 =	vld [tilespmem:s16+$0x5400]  }
0x115: {  	v8 =	vld [tilespmem:s16+$0x5600]  }
0x116: {  	v0 =	vadd.f32 v4, v0;
	v4 =	vld [tilespmem:s16+$0x5800]  }
0x117: {  	v9 =	vld [tilespmem:s16+$0x5A00]  }
0x118: {  	v0 =	vadd.f32 v5, v0;
	v5 =	vld [tilespmem:s16+$0x5C00]  }
0x119: {  	v10 =	vld [tilespmem:s16+$0x5E00]  }
0x11a: {  	v0 =	vadd.f32 v1, v0;
	v1 =	vld [tilespmem:s16+$0x6000]  }
0x11b: {  	v11 =	vld [tilespmem:s16+$0x6200]  }
0x11c: {  	v0 =	vadd.f32 v6, v0;
	v6 =	vld [tilespmem:s16+$0x6400]  }
0x11d: {  	v12 =	vld [tilespmem:s16+$0x6600]  }
0x11e: {  	v0 =	vadd.f32 v2, v0;
	v2 =	vld [tilespmem:s16+$0x6800]  }
0x11f: {  	v13 =	vld [tilespmem:s16+$0x6A00]  }
0x120: {  	v0 =	vadd.f32 v7, v0;
	v7 =	vld [tilespmem:s16+$0x6C00]  }
0x121: {  	v14 =	vld [tilespmem:s16+$0x6E00]  }
0x122: {  	v3 =	vadd.f32 v3, v0;
	v15 =	vld [tilespmem:s16+$0x7000]  }
0x123: {  	v0 =	vld [tilespmem:s16+$0x7200]  }
0x124: {  	v3 =	vadd.f32 v8, v3;
	_ =	sdelay $0x1  }
0x125: {  	v3 =	vadd.f32 v4, v3;
	_ =	sdelay $0x1  }
0x126: {  	v3 =	vadd.f32 v9, v3;
	_ =	sdelay $0x1  }
0x127: {  	v3 =	vadd.f32 v5, v3;
	_ =	sdelay $0x1  }
0x128: {  	v3 =	vadd.f32 v10, v3;
	_ =	sdelay $0x1  }
0x129: {  	v1 =	vadd.f32 v1, v3;
	_ =	sdelay $0x1  }
0x12a: {  	v1 =	vadd.f32 v11, v1;
	_ =	sdelay $0x1  }
0x12b: {  	v1 =	vadd.f32 v6, v1;
	_ =	sdelay $0x1  }
0x12c: {  	v1 =	vadd.f32 v12, v1;
	_ =	sdelay $0x1  }
0x12d: {  	v1 =	vadd.f32 v2, v1;
	_ =	sdelay $0x1  }
0x12e: {  	v1 =	vadd.f32 v13, v1;
	_ =	sdelay $0x1  }
0x12f: {  	v1 =	vadd.f32 v7, v1  }
.Ltmp8:
0x130: {  	(pc) =	sbr.rel @p0 .LBB2_15-.Ltmp8, $3  }
0x131: {  	v1 =	vadd.f32 v14, v1;
	_ =	sdelay $0x1  }
0x132: {  	v1 =	vadd.f32 v15, v1  }
0x133: {  	s15 =	sadd.s32 $0x20, s15  }
0x134: {  	s29 =	sadd.s32 $0x1, s29  }
0x135: {  	p0 =	sne.s32 s29, $0x4  }
.Ltmp9:
0x136: {  	_ = 	snop;
	(pc) =	sbr.rel @p0 .LBB2_5-.Ltmp9, $4  }
0x137: {  	v0 =	vadd.f32 v0, v1;
	s0 =	sadd.s32 s5, s30  }
0x138: {  	s2 =	sand.u32 $0x3FFFFF80, s30;
	s0 =	sshrl.u32 s0, $0x3  }
0x139: {  	s2 =	sadd.s32 $0x7400, s2;
	[tilespmem:s31+$0x7410] =	vst v0;
	s0 =	sadd.s32 s3, s0  }
0x13a: {  	[hbm4b:s0+s4] =	stream.linear.scatter [tilespmem:s2], [sflag:$0x4], $0x80, $0x38;
	[tilespmem:$0x7600] =	vst v63  }
0x13b: {  	s28 =	sadd.s32 $0x1, s28  }
0x13c: {  	p0 =	sne.s32 s28, s8  }
.Ltmp10:
0x13d: {  	_ = 	snop;
	(pc) =	sbr.rel @p0 .LBB2_1-.Ltmp10, $4  }
0x13e: {  	_ = 	snop  }
0x13f: {  	_ =	swait.ge [sflag:s25], $0x200  }
0x140: {  	[sflag:s25] =	ssyncset.done $0x0  }
0x141: {  	[sflag:s25] =	ssyncadd.s32 $0xFFFFFE00  }
0x142: {  	_ =	sfence.sel $0x180000  }
0x143: {  	[bflag:$0x0] =	sbarrier.arrive $0xFFFF  }
0x144: {  	_ =	strace $0x90000047  }
0x145: {  	s0 =	stileid.u32;
	[bflag:$0x2] =	sbarrier.arrive $0xFFFF  }
0x146: {  	p0 =	sne.s32 s0, $0x0;
	s0 =	rddreg [dreg:$0x3]  }
0x147: {  	s0 =	sadd.s32 @!p0 $0x100000, s0  }
0x148: {  	[sflag:s0] =	ssyncadd.tile.s32 @!p0 $0x1;
	_ =	shalt  }
.Lfunc_end2:
_tile_overlayer_lowered:
.L_overlay_start_2:
0x149: {  	(tag) =	ssettag $0x2  }
0x14a: {  	s0 =	rddreg [dreg:$0x0];
	s2 =	stileid.u32  }
0x14b: {  	s1 =	rddreg [dreg:$0x1];
	p0 =	sne.s32 s2, $0x0  }
0x14c: {  	s3 =	rddreg [dreg:$0x2];
	[bflag:$0x3] =	sbarrier.arrive $0xFFFF;
	s2 =	simm.s32 @!p0 $0x1C05  }
0x14d: {  	[timem:s3], [sflag:s2] =	dma.local @!p0 [hbm:s0], s1  }
0x14e: {  	s0 =	simm.s32 @!p0 $0x5  }
0x14f: {  	_ =	swait.ge @!p0 [sflag:s0], s1  }
0x150: {  	s1 =	ssub.s32 @!p0 $0x0, s1;
	[sflag:s0] =	ssyncset.done @!p0 $0x0  }
0x151: {  	[sflag:s0] =	ssyncadd.s32 @!p0 s1  }
0x152: {  	[bflag:$0x3] =	sbarrier.arrive $0xFFFF  }
0x153: {  	_ =	shalt  }

</sc_bundles>
